<compile_context>
chip_gen: v7x
topology: tpu7x:2x2x1
jax: 0.10.2.dev20260603
libtpu: 0.0.44.dev20260713+nightly
codegen_flags: <defaults>
</compile_context>

<pallas_src>
import functools

import jax
import jax.numpy as jnp
from jax import lax
from jax.experimental import pallas as pl
from jax.experimental.pallas import tpu as pltpu
from jax.experimental.pallas import tpu_sc as plsc

F32 = jnp.float32
I32 = jnp.int32

NC, NS = 2, 16
NW = NC * NS
CH = 128
G = 64
BN = 1000
DW = 8
ZRC = 104


def _sc_mesh():
    return plsc.VectorSubcoreMesh(core_axis_name="c", subcore_axis_name="s",
                                  num_cores=NC, num_subcores=NS)


def _node_part(NH):
    p0 = (NH // NS) // 8 * 8
    tail = NH - NS * p0
    return p0, tail




def _make_deg_kernel(E, N):
    es = E // NS
    full, rem = es // CH, es % CH
    NH = N // NC
    NHP = NH + 8
    p0, tail = _node_part(NH)
    scratch = [
        pltpu.VMEM((es,), I32),
        pltpu.VMEM((1, CH), I32),
        pltpu.VMEM((CH, DW), F32),
        pltpu.VMEM((p0, DW), F32),
        pltpu.VMEM_SHARED((NHP, DW), F32),
    ]
    if rem:
        scratch.append(pltpu.VMEM((1, rem), I32))

    @functools.partial(
        pl.kernel,
        out_type=jax.ShapeDtypeStruct((NC, NH, DW), F32),
        mesh=_sc_mesh(),
        scratch_types=scratch,
    )
    def k(dst_hbm, ones_hbm, z_hbm, out_hbm, dall, didx2, ones_v, zb, acc,
          *rest):
        c = lax.axis_index("c")
        s = lax.axis_index("s")
        lo = c * NH
        pltpu.sync_copy(ones_hbm, ones_v)
        pltpu.sync_copy(z_hbm, zb)
        pltpu.sync_copy(zb, acc.at[pl.ds(s * p0, p0)])
        if tail:
            @pl.when(s == 0)
            def _():
                pltpu.sync_copy(zb.at[pl.ds(0, tail)],
                                acc.at[pl.ds(NS * p0, tail)])
        pltpu.sync_copy(dst_hbm.at[pl.ds(s * es, es)], dall)
        plsc.subcore_barrier()

        def do_chunk(kk, n, dx2):
            off = kk * CH
            for j in range(n // 16):
                d = dall[pl.ds(off + j * 16, 16)] - lo
                ok = (d >= 0) & (d < NH)
                dx2[0, pl.ds(j * 16, 16)] = jnp.where(ok, d, NH)
            pltpu.sync_copy(ones_v.at[pl.ds(0, n)], acc.at[dx2.at[0]],
                            add=True)

        def body(i, carry):
            do_chunk(i, CH, didx2)
            return carry

        lax.fori_loop(0, full, body, 0)
        if rem:
            do_chunk(full, rem, rest[0])
        plsc.subcore_barrier()
        pltpu.sync_copy(acc.at[pl.ds(s * p0, p0)], zb)
        pltpu.sync_copy(zb, out_hbm.at[c, pl.ds(s * p0, p0)])
        if tail:
            @pl.when(s == 0)
            def _():
                pltpu.sync_copy(acc.at[pl.ds(NS * p0, tail)],
                                zb.at[pl.ds(0, tail)])
                pltpu.sync_copy(zb.at[pl.ds(0, tail)],
                                out_hbm.at[c, pl.ds(NS * p0, tail)])

    return k


def _make_agg_kernel(E, N, H):
    es = E // NW
    full, rem = es // CH, es % CH
    p0, tail = _node_part(N)
    assert p0 % ZRC == 0 and tail <= ZRC
    scratch = [
        pltpu.VMEM((1, CH), I32),
        pltpu.VMEM((1, CH), I32),
        pltpu.VMEM((1, CH, H), F32),
        pltpu.VMEM((ZRC, H), F32),
        pltpu.VMEM_SHARED((N, H), F32),
        pltpu.SemaphoreType.DMA,
    ]
    if rem:
        scratch += [pltpu.VMEM((1, rem), I32), pltpu.VMEM((1, rem), I32),
                    pltpu.VMEM((rem, H), F32)]

    @functools.partial(
        pl.kernel,
        out_type=jax.ShapeDtypeStruct((NC, N, H), F32),
        mesh=_sc_mesh(),
        scratch_types=scratch,
    )
    def k(y_hbm, src_hbm, dst_hbm, z_hbm, out_hbm,
          sidx, didx, rows, zb, acc, gsem0, *rest):
        c = lax.axis_index("c")
        s = lax.axis_index("s")
        base = (c * NS + s) * es
        pltpu.sync_copy(z_hbm, zb)
        for q in range(p0 // ZRC):
            pltpu.sync_copy(zb, acc.at[pl.ds(s * p0 + q * ZRC, ZRC)])
        if tail:
            @pl.when(s == 0)
            def _():
                pltpu.sync_copy(zb.at[pl.ds(0, tail)],
                                acc.at[pl.ds(NS * p0, tail)])
        plsc.subcore_barrier()

        def body(t, carry):
            off = base + t * CH
            pltpu.sync_copy(src_hbm.at[pl.ds(off, CH)], sidx.at[0])
            pltpu.sync_copy(dst_hbm.at[pl.ds(off, CH)], didx.at[0])
            pltpu.async_copy(y_hbm.at[sidx.at[0]], rows.at[0],
                             gsem0).wait()
            pltpu.sync_copy(rows.at[0], acc.at[didx.at[0]], add=True)
            return carry

        lax.fori_loop(0, full, body, 0)
        if rem:
            sidx_r, didx_r, rows_r = rest
            off = base + full * CH
            pltpu.sync_copy(src_hbm.at[pl.ds(off, rem)], sidx_r.at[0])
            pltpu.sync_copy(dst_hbm.at[pl.ds(off, rem)], didx_r.at[0])
            pltpu.async_copy(y_hbm.at[sidx_r.at[0]], rows_r, gsem0).wait()
            pltpu.sync_copy(rows_r, acc.at[didx_r.at[0]], add=True)
        plsc.subcore_barrier()
        for q in range(p0 // ZRC):
            pltpu.sync_copy(acc.at[pl.ds(s * p0 + q * ZRC, ZRC)], zb)
            pltpu.sync_copy(zb, out_hbm.at[c, pl.ds(s * p0 + q * ZRC, ZRC)])
        if tail:
            @pl.when(s == 0)
            def _():
                pltpu.sync_copy(acc.at[pl.ds(NS * p0, tail)],
                                zb.at[pl.ds(0, tail)])
                pltpu.sync_copy(zb.at[pl.ds(0, tail)],
                                out_hbm.at[c, pl.ds(NS * p0, tail)])

    return k


def _dinv_block(degp):
    deg = degp[:, 0:1] + 1.0
    return lax.rsqrt(deg)


def _tc_first(x_ref, degp_ref, w_ref, y_ref):
    dinv = _dinv_block(degp_ref[...])
    xw = jnp.dot(x_ref[...], w_ref[...], preferred_element_type=F32)
    y_ref[...] = dinv * xw


def _tc_mid(aggp_ref, y_ref, degp_ref, b_ref, w_ref, o_ref):
    dinv = _dinv_block(degp_ref[...])
    agg = aggp_ref[0] + aggp_ref[1]
    h = jnp.maximum(dinv * (agg + y_ref[...]) + b_ref[...], 0.0)
    o_ref[...] = dinv * jnp.dot(h, w_ref[...], preferred_element_type=F32)


def _tc_last(aggp_ref, y_ref, degp_ref, b_ref, bat_ref, wl_ref, bl_ref, o_ref):
    n = aggp_ref.shape[1]
    dinv = _dinv_block(degp_ref[...])
    agg = aggp_ref[0] + aggp_ref[1]
    h = jnp.maximum(dinv * (agg + y_ref[...]) + b_ref[...], 0.0)
    gid = lax.broadcasted_iota(I32, (G, n), 0)
    mask = (bat_ref[...] == gid).astype(F32)
    counts = jnp.sum(mask, axis=1, keepdims=True)
    pooled = jnp.dot(mask, h, preferred_element_type=F32)
    pooled = pooled / jnp.maximum(counts, 1.0)
    o_ref[...] = jnp.dot(pooled, wl_ref[...],
                         preferred_element_type=F32) + bl_ref[...]


def kernel(x, edge_index, batch, W1, b1, W2, b2, W3, b3, Wl, bl):
    N, D = x.shape
    E = edge_index.shape[1]
    H = W1.shape[1]
    assert E % (NS * 16) == 0 and N % BN == 0 and N % NC == 0

    src = edge_index[0].astype(I32)
    dst = edge_index[1].astype(I32)
    p0, _ = _node_part(N)

    deg_k = _make_deg_kernel(E, N)
    agg_k = _make_agg_kernel(E, N, H)

    degp = deg_k(dst, jnp.ones((CH, DW), F32),
                 jnp.zeros((((N // NC) // NS) // 8 * 8, DW),
                           F32)).reshape(N, DW)
    zrows = jnp.zeros((ZRC, H), F32)

    def agg(y):
        return agg_k(y, src, dst, zrows)

    grid = (N // BN,)
    full2 = lambda shp: pl.BlockSpec(shp, lambda i: (0, 0))
    row_spec = pl.BlockSpec((BN, H), lambda i: (i, 0))
    aggp_spec = pl.BlockSpec((NC, BN, H), lambda i: (0, i, 0))
    degp_spec = pl.BlockSpec((BN, DW), lambda i: (i, 0))

    y1 = pl.pallas_call(
        _tc_first,
        grid=grid,
        in_specs=[pl.BlockSpec((BN, D), lambda i: (i, 0)), degp_spec,
                  full2((D, H))],
        out_specs=row_spec,
        out_shape=jax.ShapeDtypeStruct((N, H), F32),
    )(x, degp, W1)

    mid = pl.pallas_call(
        _tc_mid,
        grid=grid,
        in_specs=[aggp_spec, row_spec, degp_spec, full2((1, H)),
                  full2((H, H))],
        out_specs=row_spec,
        out_shape=jax.ShapeDtypeStruct((N, H), F32),
    )

    Ws = jnp.stack([W2, W3, jnp.zeros((H, H), F32)])
    bs = jnp.stack([b1.reshape(1, H), b2.reshape(1, H),
                    jnp.zeros((1, H), F32)])
    nlayers = lax.optimization_barrier(jnp.int32(3))

    def cond(st):
        return st[0] < nlayers

    def body(st):
        i, _, y, _ = st
        aggp = agg(y)
        W = lax.dynamic_index_in_dim(Ws, i, keepdims=False)
        b = lax.dynamic_index_in_dim(bs, i, keepdims=False)
        ynew = mid(aggp, y, degp, b, W)
        return (i + 1, y, ynew, aggp)

    init = (jnp.int32(0), y1, y1, jnp.zeros((NC, N, H), F32))
    _, y3, _, agg3 = lax.while_loop(cond, body, init)

    out = pl.pallas_call(
        _tc_last,
        in_specs=[pl.BlockSpec((NC, N, H), lambda: (0, 0, 0)),
                  pl.BlockSpec((N, H), lambda: (0, 0)),
                  pl.BlockSpec((N, DW), lambda: (0, 0)),
                  pl.BlockSpec((1, H), lambda: (0, 0)),
                  pl.BlockSpec((1, N), lambda: (0, 0)),
                  pl.BlockSpec((H, 1), lambda: (0, 0)),
                  pl.BlockSpec((1, 1), lambda: (0, 0))],
        out_specs=pl.BlockSpec((G, 1), lambda: (0, 0)),
        out_shape=jax.ShapeDtypeStruct((G, 1), F32),
    )(agg3, y3, degp, b3.reshape(1, H), batch.reshape(1, N).astype(I32),
      Wl, bl.reshape(1, 1))

    return out.reshape(G)

# --- scband reference (transcript-rebuilt; emitter-appended) ---
"""Pipeline reference for scband-py-g-gcnregression-35270271435518 (READ-ONLY COPY).

The authoritative reference and input builder live on the scoring server;
editing this copy changes nothing except your own understanding.
"""

import jax, jax.numpy as jnp
import numpy as np

N = 10000
E = 320000
D = 128
H = 128
G = 64


def gcn_conv(x, edge_index, W, b, num_nodes):
    # PyG GCNConv: linear transform, add self-loops, symmetric normalization, scatter-add aggregate, bias
    x = x @ W
    src = edge_index[0]
    dst = edge_index[1]
    loop = jnp.arange(num_nodes, dtype=src.dtype)
    src = jnp.concatenate([src, loop])
    dst = jnp.concatenate([dst, loop])
    ew = jnp.ones(src.shape[0], dtype=x.dtype)
    deg = jax.ops.segment_sum(ew, dst, num_segments=num_nodes)
    dinv = jnp.where(deg > 0, deg ** -0.5, 0.0)
    norm = dinv[src] * dinv[dst]
    msgs = x[src] * norm[:, None]
    out = jax.ops.segment_sum(msgs, dst, num_segments=num_nodes)
    return out + b


def setup_inputs(seed: int = 0) -> dict:
    key = jax.random.key(seed)
    ks = jax.random.split(key, 12)
    x = jax.random.normal(ks[0], (N, D), dtype=jnp.float32)
    edge_index = jax.random.randint(ks[1], (2, E), 0, N, dtype=jnp.int64)
    batch = jnp.sort(jax.random.randint(ks[2], (N,), 0, G, dtype=jnp.int64))
    W1 = jax.random.normal(ks[3], (D, H), dtype=jnp.float32) * 0.05
    b1 = jnp.zeros((H,), dtype=jnp.float32)
    W2 = jax.random.normal(ks[4], (H, H), dtype=jnp.float32) * 0.05
    b2 = jnp.zeros((H,), dtype=jnp.float32)
    W3 = jax.random.normal(ks[5], (H, H), dtype=jnp.float32) * 0.05
    b3 = jnp.zeros((H,), dtype=jnp.float32)
    Wl = jax.random.normal(ks[6], (H, 1), dtype=jnp.float32) * 0.05
    bl = jnp.zeros((1,), dtype=jnp.float32)
    return {"x": x, "edge_index": edge_index, "batch": batch,
            "W1": W1, "b1": b1, "W2": W2, "b2": b2, "W3": W3, "b3": b3,
            "Wl": Wl, "bl": bl}


def reference(x, edge_index, batch, W1, b1, W2, b2, W3, b3, Wl, bl):
    # dropout is identity in eval mode
    h = jax.nn.relu(gcn_conv(x, edge_index, W1, b1, N))
    h = jax.nn.relu(gcn_conv(h, edge_index, W2, b2, N))
    h = jax.nn.relu(gcn_conv(h, edge_index, W3, b3, N))
    # global mean pool over batch vector
    sums = jax.ops.segment_sum(h, batch, num_segments=G)
    counts = jax.ops.segment_sum(jnp.ones((N,), dtype=h.dtype), batch, num_segments=G)
    counts = jnp.maximum(counts, 1.0)
    pooled = sums / counts[:, None]
    out = pooled @ Wl + bl
    return out.squeeze(-1)

if __name__ == "__main__":
    import jax
    _d = setup_inputs()
    print(jax.jit(kernel)(*tuple(_d.values())))

</pallas_src>

<mosaic_0001>
#map = affine_map<(d0, d1) -> (0)>
#map1 = affine_map<(d0, d1) -> (0, 0)>
#map2 = affine_map<(d0, d1) -> (0, 0, 0)>
module attributes {stable_mosaic.version = 14 : i64} {
  func.func @k(%arg0: i32, %arg1: i32, %arg2: memref<320000xi32, #tpu.memory_space<hbm>>, %arg3: memref<128x8xf32, #tpu.memory_space<hbm>>, %arg4: memref<312x8xf32, #tpu.memory_space<hbm>>, %arg5: memref<2x5000x8xf32, #tpu.memory_space<hbm>>, %arg6: memref<20000xi32, #tpu.memory_space<vmem>>, %arg7: memref<1x128xi32, #tpu.memory_space<vmem>>, %arg8: memref<128x8xf32, #tpu.memory_space<vmem>>, %arg9: memref<312x8xf32, #tpu.memory_space<vmem>>, %arg10: memref<5008x8xf32, #tpu.memory_space<vmem_shared>>, %arg11: memref<1x32xi32, #tpu.memory_space<vmem>>) attributes {dimension_semantics = [#tpu.dimension_semantics<core_parallel>, #tpu.dimension_semantics<subcore_parallel>], iteration_bounds = array<i64: 2, 16>, scalar_prefetch = 0 : i64, scratch_operands = 6 : i64, tpu.core_type = #tpu.core_type<sc_vector_subcore>, window_params = [{transform_indices = #map}, {transform_indices = #map1}, {transform_indices = #map1}, {transform_indices = #map2}]} {
    %mul3A = arith.constant 5000 : i32
    %mul3A_0 = arith.muli %arg0, %mul3A : i32
    "tpu.region"() ({
      %run_scoped3A_55 = tpu.sem_alloc : memref<!tpu.dma_semaphore, #tpu.memory_space<semaphore_mem>>
      tpu.enqueue_dma source(%arg3 : memref<128x8xf32, #tpu.memory_space<hbm>>) target(%arg8 : memref<128x8xf32, #tpu.memory_space<vmem>>) target_semaphore(%run_scoped3A_55 : memref<!tpu.dma_semaphore, #tpu.memory_space<semaphore_mem>>)
      tpu.wait_dma2 semaphore(%run_scoped3A_55 : memref<!tpu.dma_semaphore, #tpu.memory_space<semaphore_mem>>) src(%arg3 : memref<128x8xf32, #tpu.memory_space<hbm>>) dst(%arg8 : memref<128x8xf32, #tpu.memory_space<vmem>>)
      tpu.yield
    }) : () -> ()
    "tpu.region"() ({
      %run_scoped3A_55 = tpu.sem_alloc : memref<!tpu.dma_semaphore, #tpu.memory_space<semaphore_mem>>
      tpu.enqueue_dma source(%arg4 : memref<312x8xf32, #tpu.memory_space<hbm>>) target(%arg9 : memref<312x8xf32, #tpu.memory_space<vmem>>) target_semaphore(%run_scoped3A_55 : memref<!tpu.dma_semaphore, #tpu.memory_space<semaphore_mem>>)
      tpu.wait_dma2 semaphore(%run_scoped3A_55 : memref<!tpu.dma_semaphore, #tpu.memory_space<semaphore_mem>>) src(%arg4 : memref<312x8xf32, #tpu.memory_space<hbm>>) dst(%arg9 : memref<312x8xf32, #tpu.memory_space<vmem>>)
      tpu.yield
    }) : () -> ()
    %mul3A_1 = arith.constant 312 : i32
    %mul3A_2 = arith.muli %arg1, %mul3A_1 : i32
    "tpu.region"() ({
      %run_scoped3A_55 = tpu.sem_alloc : memref<!tpu.dma_semaphore, #tpu.memory_space<semaphore_mem>>
      %dma_start3A = arith.constant 0 : i32
      %dma_start3A_56 = tpu.memref_slice %arg10[%mul3A_2, %dma_start3A] : memref<5008x8xf32, #tpu.memory_space<vmem_shared>> -> memref<312x8xf32, #tpu.memory_space<vmem_shared>>
      %dma_start3A_57 = arith.constant 0 : i32
      %dma_start3A_58 = tpu.memref_slice %arg10[%mul3A_2, %dma_start3A_57] : memref<5008x8xf32, #tpu.memory_space<vmem_shared>> -> memref<312x8xf32, #tpu.memory_space<vmem_shared>>
      tpu.enqueue_dma source(%arg9 : memref<312x8xf32, #tpu.memory_space<vmem>>) target(%dma_start3A_58 : memref<312x8xf32, #tpu.memory_space<vmem_shared>>) target_semaphore(%run_scoped3A_55 : memref<!tpu.dma_semaphore, #tpu.memory_space<semaphore_mem>>)
      %dma_wait3A = arith.constant 0 : i32
      %dma_wait3A_59 = tpu.memref_slice %arg10[%mul3A_2, %dma_wait3A] : memref<5008x8xf32, #tpu.memory_space<vmem_shared>> -> memref<312x8xf32, #tpu.memory_space<vmem_shared>>
      %dma_wait3A_60 = arith.constant 0 : i32
      %dma_wait3A_61 = tpu.memref_slice %arg10[%mul3A_2, %dma_wait3A_60] : memref<5008x8xf32, #tpu.memory_space<vmem_shared>> -> memref<312x8xf32, #tpu.memory_space<vmem_shared>>
      tpu.wait_dma2 semaphore(%run_scoped3A_55 : memref<!tpu.dma_semaphore, #tpu.memory_space<semaphore_mem>>) src(%arg9 : memref<312x8xf32, #tpu.memory_space<vmem>>) dst(%dma_wait3A_61 : memref<312x8xf32, #tpu.memory_space<vmem_shared>>)
      tpu.yield
    }) : () -> ()
    %eq3A = arith.constant 0 : i32
    %eq3A_3 = arith.cmpi eq, %arg1, %eq3A : i32
    %convert_element_type3A = arith.extui %eq3A_3 : i1 to i32
    %cond3A = arith.constant 0 : i32
    %cond3A_4 = arith.cmpi ne, %convert_element_type3A, %cond3A : i32
    scf.if %cond3A_4 {
      "tpu.region"() ({
        %run_scoped3A_55 = tpu.sem_alloc : memref<!tpu.dma_semaphore, #tpu.memory_space<semaphore_mem>>
        %dma_start3A = arith.constant 0 : i32
        %dma_start3A_56 = arith.constant 0 : i32
        %dma_start3A_57 = tpu.memref_slice %arg9[%dma_start3A, %dma_start3A_56] : memref<312x8xf32, #tpu.memory_space<vmem>> -> memref<8x8xf32, #tpu.memory_space<vmem>>
        %dma_start3A_58 = arith.constant 4992 : i32
        %dma_start3A_59 = arith.constant 0 : i32
        %dma_start3A_60 = tpu.memref_slice %arg10[%dma_start3A_58, %dma_start3A_59] : memref<5008x8xf32, #tpu.memory_space<vmem_shared>> -> memref<8x8xf32, #tpu.memory_space<vmem_shared>>
        %dma_start3A_61 = arith.constant 4992 : i32
        %dma_start3A_62 = arith.constant 0 : i32
        %dma_start3A_63 = tpu.memref_slice %arg10[%dma_start3A_61, %dma_start3A_62] : memref<5008x8xf32, #tpu.memory_space<vmem_shared>> -> memref<8x8xf32, #tpu.memory_space<vmem_shared>>
        %dma_start3A_64 = arith.constant 0 : i32
        %dma_start3A_65 = arith.constant 0 : i32
        %dma_start3A_66 = tpu.memref_slice %arg9[%dma_start3A_64, %dma_start3A_65] : memref<312x8xf32, #tpu.memory_space<vmem>> -> memref<8x8xf32, #tpu.memory_space<vmem>>
        tpu.enqueue_dma source(%dma_start3A_66 : memref<8x8xf32, #tpu.memory_space<vmem>>) target(%dma_start3A_63 : memref<8x8xf32, #tpu.memory_space<vmem_shared>>) target_semaphore(%run_scoped3A_55 : memref<!tpu.dma_semaphore, #tpu.memory_space<semaphore_mem>>)
        %dma_wait3A = arith.constant 0 : i32
        %dma_wait3A_67 = arith.constant 0 : i32
        %dma_wait3A_68 = tpu.memref_slice %arg9[%dma_wait3A, %dma_wait3A_67] : memref<312x8xf32, #tpu.memory_space<vmem>> -> memref<8x8xf32, #tpu.memory_space<vmem>>
        %dma_wait3A_69 = arith.constant 4992 : i32
        %dma_wait3A_70 = arith.constant 0 : i32
        %dma_wait3A_71 = tpu.memref_slice %arg10[%dma_wait3A_69, %dma_wait3A_70] : memref<5008x8xf32, #tpu.memory_space<vmem_shared>> -> memref<8x8xf32, #tpu.memory_space<vmem_shared>>
        %dma_wait3A_72 = arith.constant 4992 : i32
        %dma_wait3A_73 = arith.constant 0 : i32
        %dma_wait3A_74 = tpu.memref_slice %arg10[%dma_wait3A_72, %dma_wait3A_73] : memref<5008x8xf32, #tpu.memory_space<vmem_shared>> -> memref<8x8xf32, #tpu.memory_space<vmem_shared>>
        %dma_wait3A_75 = arith.constant 0 : i32
        %dma_wait3A_76 = arith.constant 0 : i32
        %dma_wait3A_77 = tpu.memref_slice %arg9[%dma_wait3A_75, %dma_wait3A_76] : memref<312x8xf32, #tpu.memory_space<vmem>> -> memref<8x8xf32, #tpu.memory_space<vmem>>
        tpu.wait_dma2 semaphore(%run_scoped3A_55 : memref<!tpu.dma_semaphore, #tpu.memory_space<semaphore_mem>>) src(%dma_wait3A_77 : memref<8x8xf32, #tpu.memory_space<vmem>>) dst(%dma_wait3A_74 : memref<8x8xf32, #tpu.memory_space<vmem_shared>>)
        tpu.yield
      }) : () -> ()
    } else {
    }
    %mul3A_5 = arith.constant 20000 : i32
    %mul3A_6 = arith.muli %arg1, %mul3A_5 : i32
    "tpu.region"() ({
      %run_scoped3A_55 = tpu.sem_alloc : memref<!tpu.dma_semaphore, #tpu.memory_space<semaphore_mem>>
      %dma_start3A = tpu.memref_slice %arg2[%mul3A_6] : memref<320000xi32, #tpu.memory_space<hbm>> -> memref<20000xi32, #tpu.memory_space<hbm>>
      %dma_start3A_56 = tpu.memref_slice %arg2[%mul3A_6] : memref<320000xi32, #tpu.memory_space<hbm>> -> memref<20000xi32, #tpu.memory_space<hbm>>
      tpu.enqueue_dma source(%dma_start3A_56 : memref<20000xi32, #tpu.memory_space<hbm>>) target(%arg6 : memref<20000xi32, #tpu.memory_space<vmem>>) target_semaphore(%run_scoped3A_55 : memref<!tpu.dma_semaphore, #tpu.memory_space<semaphore_mem>>)
      %dma_wait3A = tpu.memref_slice %arg2[%mul3A_6] : memref<320000xi32, #tpu.memory_space<hbm>> -> memref<20000xi32, #tpu.memory_space<hbm>>
      %dma_wait3A_57 = tpu.memref_slice %arg2[%mul3A_6] : memref<320000xi32, #tpu.memory_space<hbm>> -> memref<20000xi32, #tpu.memory_space<hbm>>
      tpu.wait_dma2 semaphore(%run_scoped3A_55 : memref<!tpu.dma_semaphore, #tpu.memory_space<semaphore_mem>>) src(%dma_wait3A_57 : memref<20000xi32, #tpu.memory_space<hbm>>) dst(%arg6 : memref<20000xi32, #tpu.memory_space<vmem>>)
      tpu.yield
    }) : () -> ()
    %barrier3A = arith.constant 0 : index
    tpu.barrier barrier_id(%barrier3A)
    %scan3A = arith.constant 0 : i32
    %scan3A_7 = arith.constant 0 : i32
    %scan3A_8 = arith.constant 156 : i32
    %scan3A_9 = arith.addi %scan3A_7, %scan3A_8 : i32
    %scan3A_10 = arith.constant 1 : i32
    scf.for %scan3A_55 = %scan3A_7 to %scan3A_9 step %scan3A_10  : i32 {
      %mul3A_56 = arith.constant 128 : i32
      %mul3A_57 = arith.muli %scan3A_55, %mul3A_56 : i32
      %add3A = arith.constant 0 : i32
      %add3A_58 = arith.addi %mul3A_57, %add3A : i32
      %get3A_59 = arith.index_cast %add3A_58 : i32 to index
      %get3A_60 = tpu.vector_load %arg6[%get3A_59] {strides = array<i32>} : memref<20000xi32, #tpu.memory_space<vmem>>, vector<16xi32>,
      %get3A_61 = vector.shape_cast %get3A_60 : vector<16xi32> to vector<16xi32>
      %sub3A_62 = vector.broadcast %mul3A_0 : i32 to vector<16xi32>
      %sub3A_63 = arith.subi %get3A_61, %sub3A_62 : vector<16xi32>
      %ge3A_64 = arith.constant 0 : i32
      %ge3A_65 = vector.broadcast %ge3A_64 : i32 to vector<16xi32>
      %ge3A_66 = arith.cmpi sge, %sub3A_63, %ge3A_65 : vector<16xi32>
      %lt3A_67 = arith.constant 5000 : i32
      %lt3A_68 = vector.broadcast %lt3A_67 : i32 to vector<16xi32>
      %lt3A_69 = arith.cmpi slt, %sub3A_63, %lt3A_68 : vector<16xi32>
      %and3A_70 = arith.andi %ge3A_66, %lt3A_69 : vector<16xi1>
      %jit3A_71 = arith.constant 5000 : i32
      %broadcast_in_dim3A_72 = vector.broadcast %jit3A_71 : i32 to vector<16xi32>
      %select_n3A_73 = arith.select %and3A_70, %sub3A_63, %broadcast_in_dim3A_72 : vector<16xi1>, vector<16xi32>
      %swap3A_74 = arith.constant 0 : i32
      %swap3A_75 = arith.index_cast %swap3A_74 : i32 to index
      %swap3A_76 = arith.constant 0 : index
      %swap3A_77 = tpu.vector_load %arg7[%swap3A_75, %swap3A_76] {strides = array<i32>} : memref<1x128xi32, #tpu.memory_space<vmem>>, vector<1x16xi32>,
      %swap3A_78 = vector.shape_cast %swap3A_77 : vector<1x16xi32> to vector<16xi32>
      %swap3A_79 = vector.shape_cast %select_n3A_73 : vector<16xi32> to vector<1x16xi32>
      tpu.vector_store %arg7[%swap3A_75, %swap3A_76], %swap3A_79 {strides = array<i32>} : memref<1x128xi32, #tpu.memory_space<vmem>>, vector<1x16xi32>,
      %add3A_80 = arith.constant 16 : i32
      %add3A_81 = arith.addi %mul3A_57, %add3A_80 : i32
      %get3A_82 = arith.index_cast %add3A_81 : i32 to index
      %get3A_83 = tpu.vector_load %arg6[%get3A_82] {strides = array<i32>} : memref<20000xi32, #tpu.memory_space<vmem>>, vector<16xi32>,
      %get3A_84 = vector.shape_cast %get3A_83 : vector<16xi32> to vector<16xi32>
      %sub3A_85 = vector.broadcast %mul3A_0 : i32 to vector<16xi32>
      %sub3A_86 = arith.subi %get3A_84, %sub3A_85 : vector<16xi32>
      %ge3A_87 = arith.constant 0 : i32
      %ge3A_88 = vector.broadcast %ge3A_87 : i32 to vector<16xi32>
      %ge3A_89 = arith.cmpi sge, %sub3A_86, %ge3A_88 : vector<16xi32>
      %lt3A_90 = arith.constant 5000 : i32
      %lt3A_91 = vector.broadcast %lt3A_90 : i32 to vector<16xi32>
      %lt3A_92 = arith.cmpi slt, %sub3A_86, %lt3A_91 : vector<16xi32>
      %and3A_93 = arith.andi %ge3A_89, %lt3A_92 : vector<16xi1>
      %jit3A_94 = arith.constant 5000 : i32
      %broadcast_in_dim3A_95 = vector.broadcast %jit3A_94 : i32 to vector<16xi32>
      %select_n3A_96 = arith.select %and3A_93, %sub3A_86, %broadcast_in_dim3A_95 : vector<16xi1>, vector<16xi32>
      %swap3A_97 = arith.constant 0 : i32
      %swap3A_98 = arith.index_cast %swap3A_97 : i32 to index
      %swap3A_99 = arith.constant 16 : index
      %swap3A_100 = tpu.vector_load %arg7[%swap3A_98, %swap3A_99] {strides = array<i32>} : memref<1x128xi32, #tpu.memory_space<vmem>>, vector<1x16xi32>,
      %swap3A_101 = vector.shape_cast %swap3A_100 : vector<1x16xi32> to vector<16xi32>
      %swap3A_102 = vector.shape_cast %select_n3A_96 : vector<16xi32> to vector<1x16xi32>
      tpu.vector_store %arg7[%swap3A_98, %swap3A_99], %swap3A_102 {strides = array<i32>} : memref<1x128xi32, #tpu.memory_space<vmem>>, vector<1x16xi32>,
      %add3A_103 = arith.constant 32 : i32
      %add3A_104 = arith.addi %mul3A_57, %add3A_103 : i32
      %get3A_105 = arith.index_cast %add3A_104 : i32 to index
      %get3A_106 = tpu.vector_load %arg6[%get3A_105] {strides = array<i32>} : memref<20000xi32, #tpu.memory_space<vmem>>, vector<16xi32>,
      %get3A_107 = vector.shape_cast %get3A_106 : vector<16xi32> to vector<16xi32>
      %sub3A_108 = vector.broadcast %mul3A_0 : i32 to vector<16xi32>
      %sub3A_109 = arith.subi %get3A_107, %sub3A_108 : vector<16xi32>
      %ge3A_110 = arith.constant 0 : i32
      %ge3A_111 = vector.broadcast %ge3A_110 : i32 to vector<16xi32>
      %ge3A_112 = arith.cmpi sge, %sub3A_109, %ge3A_111 : vector<16xi32>
      %lt3A_113 = arith.constant 5000 : i32
      %lt3A_114 = vector.broadcast %lt3A_113 : i32 to vector<16xi32>
      %lt3A_115 = arith.cmpi slt, %sub3A_109, %lt3A_114 : vector<16xi32>
      %and3A_116 = arith.andi %ge3A_112, %lt3A_115 : vector<16xi1>
      %jit3A_117 = arith.constant 5000 : i32
      %broadcast_in_dim3A_118 = vector.broadcast %jit3A_117 : i32 to vector<16xi32>
      %select_n3A_119 = arith.select %and3A_116, %sub3A_109, %broadcast_in_dim3A_118 : vector<16xi1>, vector<16xi32>
      %swap3A_120 = arith.constant 0 : i32
      %swap3A_121 = arith.index_cast %swap3A_120 : i32 to index
      %swap3A_122 = arith.constant 32 : index
      %swap3A_123 = tpu.vector_load %arg7[%swap3A_121, %swap3A_122] {strides = array<i32>} : memref<1x128xi32, #tpu.memory_space<vmem>>, vector<1x16xi32>,
      %swap3A_124 = vector.shape_cast %swap3A_123 : vector<1x16xi32> to vector<16xi32>
      %swap3A_125 = vector.shape_cast %select_n3A_119 : vector<16xi32> to vector<1x16xi32>
      tpu.vector_store %arg7[%swap3A_121, %swap3A_122], %swap3A_125 {strides = array<i32>} : memref<1x128xi32, #tpu.memory_space<vmem>>, vector<1x16xi32>,
      %add3A_126 = arith.constant 48 : i32
      %add3A_127 = arith.addi %mul3A_57, %add3A_126 : i32
      %get3A_128 = arith.index_cast %add3A_127 : i32 to index
      %get3A_129 = tpu.vector_load %arg6[%get3A_128] {strides = array<i32>} : memref<20000xi32, #tpu.memory_space<vmem>>, vector<16xi32>,
      %get3A_130 = vector.shape_cast %get3A_129 : vector<16xi32> to vector<16xi32>
      %sub3A_131 = vector.broadcast %mul3A_0 : i32 to vector<16xi32>
      %sub3A_132 = arith.subi %get3A_130, %sub3A_131 : vector<16xi32>
      %ge3A_133 = arith.constant 0 : i32
      %ge3A_134 = vector.broadcast %ge3A_133 : i32 to vector<16xi32>
      %ge3A_135 = arith.cmpi sge, %sub3A_132, %ge3A_134 : vector<16xi32>
      %lt3A_136 = arith.constant 5000 : i32
      %lt3A_137 = vector.broadcast %lt3A_136 : i32 to vector<16xi32>
      %lt3A_138 = arith.cmpi slt, %sub3A_132, %lt3A_137 : vector<16xi32>
      %and3A_139 = arith.andi %ge3A_135, %lt3A_138 : vector<16xi1>
      %jit3A_140 = arith.constant 5000 : i32
      %broadcast_in_dim3A_141 = vector.broadcast %jit3A_140 : i32 to vector<16xi32>
      %select_n3A_142 = arith.select %and3A_139, %sub3A_132, %broadcast_in_dim3A_141 : vector<16xi1>, vector<16xi32>
      %swap3A_143 = arith.constant 0 : i32
      %swap3A_144 = arith.index_cast %swap3A_143 : i32 to index
      %swap3A_145 = arith.constant 48 : index
      %swap3A_146 = tpu.vector_load %arg7[%swap3A_144, %swap3A_145] {strides = array<i32>} : memref<1x128xi32, #tpu.memory_space<vmem>>, vector<1x16xi32>,
      %swap3A_147 = vector.shape_cast %swap3A_146 : vector<1x16xi32> to vector<16xi32>
      %swap3A_148 = vector.shape_cast %select_n3A_142 : vector<16xi32> to vector<1x16xi32>
      tpu.vector_store %arg7[%swap3A_144, %swap3A_145], %swap3A_148 {strides = array<i32>} : memref<1x128xi32, #tpu.memory_space<vmem>>, vector<1x16xi32>,
      %add3A_149 = arith.constant 64 : i32
      %add3A_150 = arith.addi %mul3A_57, %add3A_149 : i32
      %get3A_151 = arith.index_cast %add3A_150 : i32 to index
      %get3A_152 = tpu.vector_load %arg6[%get3A_151] {strides = array<i32>} : memref<20000xi32, #tpu.memory_space<vmem>>, vector<16xi32>,
      %get3A_153 = vector.shape_cast %get3A_152 : vector<16xi32> to vector<16xi32>
      %sub3A_154 = vector.broadcast %mul3A_0 : i32 to vector<16xi32>
      %sub3A_155 = arith.subi %get3A_153, %sub3A_154 : vector<16xi32>
      %ge3A_156 = arith.constant 0 : i32
      %ge3A_157 = vector.broadcast %ge3A_156 : i32 to vector<16xi32>
      %ge3A_158 = arith.cmpi sge, %sub3A_155, %ge3A_157 : vector<16xi32>
      %lt3A_159 = arith.constant 5000 : i32
      %lt3A_160 = vector.broadcast %lt3A_159 : i32 to vector<16xi32>
      %lt3A_161 = arith.cmpi slt, %sub3A_155, %lt3A_160 : vector<16xi32>
      %and3A_162 = arith.andi %ge3A_158, %lt3A_161 : vector<16xi1>
      %jit3A_163 = arith.constant 5000 : i32
      %broadcast_in_dim3A_164 = vector.broadcast %jit3A_163 : i32 to vector<16xi32>
      %select_n3A_165 = arith.select %and3A_162, %sub3A_155, %broadcast_in_dim3A_164 : vector<16xi1>, vector<16xi32>
      %swap3A_166 = arith.constant 0 : i32
      %swap3A_167 = arith.index_cast %swap3A_166 : i32 to index
      %swap3A_168 = arith.constant 64 : index
      %swap3A_169 = tpu.vector_load %arg7[%swap3A_167, %swap3A_168] {strides = array<i32>} : memref<1x128xi32, #tpu.memory_space<vmem>>, vector<1x16xi32>,
      %swap3A_170 = vector.shape_cast %swap3A_169 : vector<1x16xi32> to vector<16xi32>
      %swap3A_171 = vector.shape_cast %select_n3A_165 : vector<16xi32> to vector<1x16xi32>
      tpu.vector_store %arg7[%swap3A_167, %swap3A_168], %swap3A_171 {strides = array<i32>} : memref<1x128xi32, #tpu.memory_space<vmem>>, vector<1x16xi32>,
      %add3A_172 = arith.constant 80 : i32
      %add3A_173 = arith.addi %mul3A_57, %add3A_172 : i32
      %get3A_174 = arith.index_cast %add3A_173 : i32 to index
      %get3A_175 = tpu.vector_load %arg6[%get3A_174] {strides = array<i32>} : memref<20000xi32, #tpu.memory_space<vmem>>, vector<16xi32>,
      %get3A_176 = vector.shape_cast %get3A_175 : vector<16xi32> to vector<16xi32>
      %sub3A_177 = vector.broadcast %mul3A_0 : i32 to vector<16xi32>
      %sub3A_178 = arith.subi %get3A_176, %sub3A_177 : vector<16xi32>
      %ge3A_179 = arith.constant 0 : i32
      %ge3A_180 = vector.broadcast %ge3A_179 : i32 to vector<16xi32>
      %ge3A_181 = arith.cmpi sge, %sub3A_178, %ge3A_180 : vector<16xi32>
      %lt3A_182 = arith.constant 5000 : i32
      %lt3A_183 = vector.broadcast %lt3A_182 : i32 to vector<16xi32>
      %lt3A_184 = arith.cmpi slt, %sub3A_178, %lt3A_183 : vector<16xi32>
      %and3A_185 = arith.andi %ge3A_181, %lt3A_184 : vector<16xi1>
      %jit3A_186 = arith.constant 5000 : i32
      %broadcast_in_dim3A_187 = vector.broadcast %jit3A_186 : i32 to vector<16xi32>
      %select_n3A_188 = arith.select %and3A_185, %sub3A_178, %broadcast_in_dim3A_187 : vector<16xi1>, vector<16xi32>
      %swap3A_189 = arith.constant 0 : i32
      %swap3A_190 = arith.index_cast %swap3A_189 : i32 to index
      %swap3A_191 = arith.constant 80 : index
      %swap3A_192 = tpu.vector_load %arg7[%swap3A_190, %swap3A_191] {strides = array<i32>} : memref<1x128xi32, #tpu.memory_space<vmem>>, vector<1x16xi32>,
      %swap3A_193 = vector.shape_cast %swap3A_192 : vector<1x16xi32> to vector<16xi32>
      %swap3A_194 = vector.shape_cast %select_n3A_188 : vector<16xi32> to vector<1x16xi32>
      tpu.vector_store %arg7[%swap3A_190, %swap3A_191], %swap3A_194 {strides = array<i32>} : memref<1x128xi32, #tpu.memory_space<vmem>>, vector<1x16xi32>,
      %add3A_195 = arith.constant 96 : i32
      %add3A_196 = arith.addi %mul3A_57, %add3A_195 : i32
      %get3A_197 = arith.index_cast %add3A_196 : i32 to index
      %get3A_198 = tpu.vector_load %arg6[%get3A_197] {strides = array<i32>} : memref<20000xi32, #tpu.memory_space<vmem>>, vector<16xi32>,
      %get3A_199 = vector.shape_cast %get3A_198 : vector<16xi32> to vector<16xi32>
      %sub3A_200 = vector.broadcast %mul3A_0 : i32 to vector<16xi32>
      %sub3A_201 = arith.subi %get3A_199, %sub3A_200 : vector<16xi32>
      %ge3A_202 = arith.constant 0 : i32
      %ge3A_203 = vector.broadcast %ge3A_202 : i32 to vector<16xi32>
      %ge3A_204 = arith.cmpi sge, %sub3A_201, %ge3A_203 : vector<16xi32>
      %lt3A_205 = arith.constant 5000 : i32
      %lt3A_206 = vector.broadcast %lt3A_205 : i32 to vector<16xi32>
      %lt3A_207 = arith.cmpi slt, %sub3A_201, %lt3A_206 : vector<16xi32>
      %and3A_208 = arith.andi %ge3A_204, %lt3A_207 : vector<16xi1>
      %jit3A_209 = arith.constant 5000 : i32
      %broadcast_in_dim3A_210 = vector.broadcast %jit3A_209 : i32 to vector<16xi32>
      %select_n3A_211 = arith.select %and3A_208, %sub3A_201, %broadcast_in_dim3A_210 : vector<16xi1>, vector<16xi32>
      %swap3A_212 = arith.constant 0 : i32
      %swap3A_213 = arith.index_cast %swap3A_212 : i32 to index
      %swap3A_214 = arith.constant 96 : index
      %swap3A_215 = tpu.vector_load %arg7[%swap3A_213, %swap3A_214] {strides = array<i32>} : memref<1x128xi32, #tpu.memory_space<vmem>>, vector<1x16xi32>,
      %swap3A_216 = vector.shape_cast %swap3A_215 : vector<1x16xi32> to vector<16xi32>
      %swap3A_217 = vector.shape_cast %select_n3A_211 : vector<16xi32> to vector<1x16xi32>
      tpu.vector_store %arg7[%swap3A_213, %swap3A_214], %swap3A_217 {strides = array<i32>} : memref<1x128xi32, #tpu.memory_space<vmem>>, vector<1x16xi32>,
      %add3A_218 = arith.constant 112 : i32
      %add3A_219 = arith.addi %mul3A_57, %add3A_218 : i32
      %get3A_220 = arith.index_cast %add3A_219 : i32 to index
      %get3A_221 = tpu.vector_load %arg6[%get3A_220] {strides = array<i32>} : memref<20000xi32, #tpu.memory_space<vmem>>, vector<16xi32>,
      %get3A_222 = vector.shape_cast %get3A_221 : vector<16xi32> to vector<16xi32>
      %sub3A_223 = vector.broadcast %mul3A_0 : i32 to vector<16xi32>
      %sub3A_224 = arith.subi %get3A_222, %sub3A_223 : vector<16xi32>
      %ge3A_225 = arith.constant 0 : i32
      %ge3A_226 = vector.broadcast %ge3A_225 : i32 to vector<16xi32>
      %ge3A_227 = arith.cmpi sge, %sub3A_224, %ge3A_226 : vector<16xi32>
      %lt3A_228 = arith.constant 5000 : i32
      %lt3A_229 = vector.broadcast %lt3A_228 : i32 to vector<16xi32>
      %lt3A_230 = arith.cmpi slt, %sub3A_224, %lt3A_229 : vector<16xi32>
      %and3A_231 = arith.andi %ge3A_227, %lt3A_230 : vector<16xi1>
      %jit3A_232 = arith.constant 5000 : i32
      %broadcast_in_dim3A_233 = vector.broadcast %jit3A_232 : i32 to vector<16xi32>
      %select_n3A_234 = arith.select %and3A_231, %sub3A_224, %broadcast_in_dim3A_233 : vector<16xi1>, vector<16xi32>
      %swap3A_235 = arith.constant 0 : i32
      %swap3A_236 = arith.index_cast %swap3A_235 : i32 to index
      %swap3A_237 = arith.constant 112 : index
      %swap3A_238 = tpu.vector_load %arg7[%swap3A_236, %swap3A_237] {strides = array<i32>} : memref<1x128xi32, #tpu.memory_space<vmem>>, vector<1x16xi32>,
      %swap3A_239 = vector.shape_cast %swap3A_238 : vector<1x16xi32> to vector<16xi32>
      %swap3A_240 = vector.shape_cast %select_n3A_234 : vector<16xi32> to vector<1x16xi32>
      tpu.vector_store %arg7[%swap3A_236, %swap3A_237], %swap3A_240 {strides = array<i32>} : memref<1x128xi32, #tpu.memory_space<vmem>>, vector<1x16xi32>,
      %run_scoped3A_241 = arith.constant 0 : i32
      "tpu.region"() ({
        %run_scoped3A_242 = tpu.sem_alloc : memref<!tpu.dma_semaphore, #tpu.memory_space<semaphore_mem>>
        %dma_start3A = arith.constant 0 : i32
        %dma_start3A_243 = arith.constant 0 : i32
        %dma_start3A_244 = tpu.memref_slice %arg8[%dma_start3A, %dma_start3A_243] : memref<128x8xf32, #tpu.memory_space<vmem>> -> memref<128x8xf32, #tpu.memory_space<vmem>>
        %dma_start3A_245 = arith.constant 0 : i32
        %dma_start3A_246 = tpu.memref_slice %arg7[%run_scoped3A_241, %dma_start3A_245] : memref<1x128xi32, #tpu.memory_space<vmem>> -> memref<1x128xi32, #tpu.memory_space<vmem>>
        %dma_start3A_247 = tpu.memref_squeeze %dma_start3A_246 : memref<1x128xi32, #tpu.memory_space<vmem>> -> memref<128xi32, #tpu.memory_space<vmem>>
        %dma_start3A_248 = arith.constant 0 : i32
        %dma_start3A_249 = arith.constant 0 : i32
        %dma_start3A_250 = tpu.memref_slice %arg10[%dma_start3A_248, %dma_start3A_249] : memref<5008x8xf32, #tpu.memory_space<vmem_shared>> -> memref<5008x8xf32, #tpu.memory_space<vmem_shared>>
        tpu.enqueue_indirect_dma source(%dma_start3A_244 : memref<128x8xf32, #tpu.memory_space<vmem>>) target(%dma_start3A_250 : memref<5008x8xf32, #tpu.memory_space<vmem_shared>>) offsets(%dma_start3A_247 : memref<128xi32, #tpu.memory_space<vmem>>) semaphore(%run_scoped3A_242 : memref<!tpu.dma_semaphore, #tpu.memory_space<semaphore_mem>>) {add = true}
        %dma_wait3A = arith.constant 0 : i32
        %dma_wait3A_251 = arith.constant 0 : i32
        %dma_wait3A_252 = tpu.memref_slice %arg8[%dma_wait3A, %dma_wait3A_251] : memref<128x8xf32, #tpu.memory_space<vmem>> -> memref<128x8xf32, #tpu.memory_space<vmem>>
        %dma_wait3A_253 = arith.constant 0 : i32
        %dma_wait3A_254 = tpu.memref_slice %arg7[%run_scoped3A_241, %dma_wait3A_253] : memref<1x128xi32, #tpu.memory_space<vmem>> -> memref<1x128xi32, #tpu.memory_space<vmem>>
        %dma_wait3A_255 = tpu.memref_squeeze %dma_wait3A_254 : memref<1x128xi32, #tpu.memory_space<vmem>> -> memref<128xi32, #tpu.memory_space<vmem>>
        %dma_wait3A_256 = arith.constant 0 : i32
        %dma_wait3A_257 = arith.constant 0 : i32
        %dma_wait3A_258 = tpu.memref_slice %arg10[%dma_wait3A_256, %dma_wait3A_257] : memref<5008x8xf32, #tpu.memory_space<vmem_shared>> -> memref<5008x8xf32, #tpu.memory_space<vmem_shared>>
        tpu.wait_indirect_dma semaphore(%run_scoped3A_242 : memref<!tpu.dma_semaphore, #tpu.memory_space<semaphore_mem>>) src(%dma_wait3A_252 : memref<128x8xf32, #tpu.memory_space<vmem>>) dst(%dma_wait3A_258 : memref<5008x8xf32, #tpu.memory_space<vmem_shared>>)
        tpu.yield
      }) : () -> ()
    }
    %scan3A_11 = arith.constant 156 : i32
    %get3A = arith.constant 19968 : index
    %get3A_12 = tpu.vector_load %arg6[%get3A] {strides = array<i32>} : memref<20000xi32, #tpu.memory_space<vmem>>, vector<16xi32>,
    %get3A_13 = vector.shape_cast %get3A_12 : vector<16xi32> to vector<16xi32>
    %sub3A = vector.broadcast %mul3A_0 : i32 to vector<16xi32>
    %sub3A_14 = arith.subi %get3A_13, %sub3A : vector<16xi32>
    %ge3A = arith.constant 0 : i32
    %ge3A_15 = vector.broadcast %ge3A : i32 to vector<16xi32>
    %ge3A_16 = arith.cmpi sge, %sub3A_14, %ge3A_15 : vector<16xi32>
    %lt3A = arith.constant 5000 : i32
    %lt3A_17 = vector.broadcast %lt3A : i32 to vector<16xi32>
    %lt3A_18 = arith.cmpi slt, %sub3A_14, %lt3A_17 : vector<16xi32>
    %and3A = arith.andi %ge3A_16, %lt3A_18 : vector<16xi1>
    %jit3A = arith.constant 5000 : i32
    %broadcast_in_dim3A = vector.broadcast %jit3A : i32 to vector<16xi32>
    %select_n3A = arith.select %and3A, %sub3A_14, %broadcast_in_dim3A : vector<16xi1>, vector<16xi32>
    %swap3A = arith.constant 0 : i32
    %swap3A_19 = arith.index_cast %swap3A : i32 to index
    %swap3A_20 = arith.constant 0 : index
    %swap3A_21 = tpu.vector_load %arg11[%swap3A_19, %swap3A_20] {strides = array<i32>} : memref<1x32xi32, #tpu.memory_space<vmem>>, vector<1x16xi32>,
    %swap3A_22 = vector.shape_cast %swap3A_21 : vector<1x16xi32> to vector<16xi32>
    %swap3A_23 = vector.shape_cast %select_n3A : vector<16xi32> to vector<1x16xi32>
    tpu.vector_store %arg11[%swap3A_19, %swap3A_20], %swap3A_23 {strides = array<i32>} : memref<1x32xi32, #tpu.memory_space<vmem>>, vector<1x16xi32>,
    %get3A_24 = arith.constant 19984 : index
    %get3A_25 = tpu.vector_load %arg6[%get3A_24] {strides = array<i32>} : memref<20000xi32, #tpu.memory_space<vmem>>, vector<16xi32>,
    %get3A_26 = vector.shape_cast %get3A_25 : vector<16xi32> to vector<16xi32>
    %sub3A_27 = vector.broadcast %mul3A_0 : i32 to vector<16xi32>
    %sub3A_28 = arith.subi %get3A_26, %sub3A_27 : vector<16xi32>
    %ge3A_29 = arith.constant 0 : i32
    %ge3A_30 = vector.broadcast %ge3A_29 : i32 to vector<16xi32>
    %ge3A_31 = arith.cmpi sge, %sub3A_28, %ge3A_30 : vector<16xi32>
    %lt3A_32 = arith.constant 5000 : i32
    %lt3A_33 = vector.broadcast %lt3A_32 : i32 to vector<16xi32>
    %lt3A_34 = arith.cmpi slt, %sub3A_28, %lt3A_33 : vector<16xi32>
    %and3A_35 = arith.andi %ge3A_31, %lt3A_34 : vector<16xi1>
    %jit3A_36 = arith.constant 5000 : i32
    %broadcast_in_dim3A_37 = vector.broadcast %jit3A_36 : i32 to vector<16xi32>
    %select_n3A_38 = arith.select %and3A_35, %sub3A_28, %broadcast_in_dim3A_37 : vector<16xi1>, vector<16xi32>
    %swap3A_39 = arith.constant 0 : i32
    %swap3A_40 = arith.index_cast %swap3A_39 : i32 to index
    %swap3A_41 = arith.constant 16 : index
    %swap3A_42 = tpu.vector_load %arg11[%swap3A_40, %swap3A_41] {strides = array<i32>} : memref<1x32xi32, #tpu.memory_space<vmem>>, vector<1x16xi32>,
    %swap3A_43 = vector.shape_cast %swap3A_42 : vector<1x16xi32> to vector<16xi32>
    %swap3A_44 = vector.shape_cast %select_n3A_38 : vector<16xi32> to vector<1x16xi32>
    tpu.vector_store %arg11[%swap3A_40, %swap3A_41], %swap3A_44 {strides = array<i32>} : memref<1x32xi32, #tpu.memory_space<vmem>>, vector<1x16xi32>,
    %run_scoped3A = arith.constant 0 : i32
    "tpu.region"() ({
      %run_scoped3A_55 = tpu.sem_alloc : memref<!tpu.dma_semaphore, #tpu.memory_space<semaphore_mem>>
      %dma_start3A = arith.constant 0 : i32
      %dma_start3A_56 = arith.constant 0 : i32
      %dma_start3A_57 = tpu.memref_slice %arg8[%dma_start3A, %dma_start3A_56] : memref<128x8xf32, #tpu.memory_space<vmem>> -> memref<32x8xf32, #tpu.memory_space<vmem>>
      %dma_start3A_58 = arith.constant 0 : i32
      %dma_start3A_59 = tpu.memref_slice %arg11[%run_scoped3A, %dma_start3A_58] : memref<1x32xi32, #tpu.memory_space<vmem>> -> memref<1x32xi32, #tpu.memory_space<vmem>>
      %dma_start3A_60 = tpu.memref_squeeze %dma_start3A_59 : memref<1x32xi32, #tpu.memory_space<vmem>> -> memref<32xi32, #tpu.memory_space<vmem>>
      %dma_start3A_61 = arith.constant 0 : i32
      %dma_start3A_62 = arith.constant 0 : i32
      %dma_start3A_63 = tpu.memref_slice %arg10[%dma_start3A_61, %dma_start3A_62] : memref<5008x8xf32, #tpu.memory_space<vmem_shared>> -> memref<5008x8xf32, #tpu.memory_space<vmem_shared>>
      tpu.enqueue_indirect_dma source(%dma_start3A_57 : memref<32x8xf32, #tpu.memory_space<vmem>>) target(%dma_start3A_63 : memref<5008x8xf32, #tpu.memory_space<vmem_shared>>) offsets(%dma_start3A_60 : memref<32xi32, #tpu.memory_space<vmem>>) semaphore(%run_scoped3A_55 : memref<!tpu.dma_semaphore, #tpu.memory_space<semaphore_mem>>) {add = true}
      %dma_wait3A = arith.constant 0 : i32
      %dma_wait3A_64 = arith.constant 0 : i32
      %dma_wait3A_65 = tpu.memref_slice %arg8[%dma_wait3A, %dma_wait3A_64] : memref<128x8xf32, #tpu.memory_space<vmem>> -> memref<32x8xf32, #tpu.memory_space<vmem>>
      %dma_wait3A_66 = arith.constant 0 : i32
      %dma_wait3A_67 = tpu.memref_slice %arg11[%run_scoped3A, %dma_wait3A_66] : memref<1x32xi32, #tpu.memory_space<vmem>> -> memref<1x32xi32, #tpu.memory_space<vmem>>
      %dma_wait3A_68 = tpu.memref_squeeze %dma_wait3A_67 : memref<1x32xi32, #tpu.memory_space<vmem>> -> memref<32xi32, #tpu.memory_space<vmem>>
      %dma_wait3A_69 = arith.constant 0 : i32
      %dma_wait3A_70 = arith.constant 0 : i32
      %dma_wait3A_71 = tpu.memref_slice %arg10[%dma_wait3A_69, %dma_wait3A_70] : memref<5008x8xf32, #tpu.memory_space<vmem_shared>> -> memref<5008x8xf32, #tpu.memory_space<vmem_shared>>
      tpu.wait_indirect_dma semaphore(%run_scoped3A_55 : memref<!tpu.dma_semaphore, #tpu.memory_space<semaphore_mem>>) src(%dma_wait3A_65 : memref<32x8xf32, #tpu.memory_space<vmem>>) dst(%dma_wait3A_71 : memref<5008x8xf32, #tpu.memory_space<vmem_shared>>)
      tpu.yield
    }) : () -> ()
    %barrier3A_45 = arith.constant 0 : index
    tpu.barrier barrier_id(%barrier3A_45)
    %mul3A_46 = arith.constant 312 : i32
    %mul3A_47 = arith.muli %arg1, %mul3A_46 : i32
    "tpu.region"() ({
      %run_scoped3A_55 = tpu.sem_alloc : memref<!tpu.dma_semaphore, #tpu.memory_space<semaphore_mem>>
      %dma_start3A = arith.constant 0 : i32
      %dma_start3A_56 = tpu.memref_slice %arg10[%mul3A_47, %dma_start3A] : memref<5008x8xf32, #tpu.memory_space<vmem_shared>> -> memref<312x8xf32, #tpu.memory_space<vmem_shared>>
      %dma_start3A_57 = arith.constant 0 : i32
      %dma_start3A_58 = tpu.memref_slice %arg10[%mul3A_47, %dma_start3A_57] : memref<5008x8xf32, #tpu.memory_space<vmem_shared>> -> memref<312x8xf32, #tpu.memory_space<vmem_shared>>
      tpu.enqueue_dma source(%dma_start3A_58 : memref<312x8xf32, #tpu.memory_space<vmem_shared>>) target(%arg9 : memref<312x8xf32, #tpu.memory_space<vmem>>) target_semaphore(%run_scoped3A_55 : memref<!tpu.dma_semaphore, #tpu.memory_space<semaphore_mem>>)
      %dma_wait3A = arith.constant 0 : i32
      %dma_wait3A_59 = tpu.memref_slice %arg10[%mul3A_47, %dma_wait3A] : memref<5008x8xf32, #tpu.memory_space<vmem_shared>> -> memref<312x8xf32, #tpu.memory_space<vmem_shared>>
      %dma_wait3A_60 = arith.constant 0 : i32
      %dma_wait3A_61 = tpu.memref_slice %arg10[%mul3A_47, %dma_wait3A_60] : memref<5008x8xf32, #tpu.memory_space<vmem_shared>> -> memref<312x8xf32, #tpu.memory_space<vmem_shared>>
      tpu.wait_dma2 semaphore(%run_scoped3A_55 : memref<!tpu.dma_semaphore, #tpu.memory_space<semaphore_mem>>) src(%dma_wait3A_61 : memref<312x8xf32, #tpu.memory_space<vmem_shared>>) dst(%arg9 : memref<312x8xf32, #tpu.memory_space<vmem>>)
      tpu.yield
    }) : () -> ()
    %mul3A_48 = arith.constant 312 : i32
    %mul3A_49 = arith.muli %arg1, %mul3A_48 : i32
    "tpu.region"() ({
      %run_scoped3A_55 = tpu.sem_alloc : memref<!tpu.dma_semaphore, #tpu.memory_space<semaphore_mem>>
      %dma_start3A = arith.constant 0 : i32
      %dma_start3A_56 = tpu.memref_slice %arg5[%arg0, %mul3A_49, %dma_start3A] : memref<2x5000x8xf32, #tpu.memory_space<hbm>> -> memref<1x312x8xf32, #tpu.memory_space<hbm>>
      %dma_start3A_57 = tpu.memref_squeeze %dma_start3A_56 : memref<1x312x8xf32, #tpu.memory_space<hbm>> -> memref<312x8xf32, #tpu.memory_space<hbm>>
      %dma_start3A_58 = arith.constant 0 : i32
      %dma_start3A_59 = tpu.memref_slice %arg5[%arg0, %mul3A_49, %dma_start3A_58] : memref<2x5000x8xf32, #tpu.memory_space<hbm>> -> memref<1x312x8xf32, #tpu.memory_space<hbm>>
      %dma_start3A_60 = tpu.memref_squeeze %dma_start3A_59 : memref<1x312x8xf32, #tpu.memory_space<hbm>> -> memref<312x8xf32, #tpu.memory_space<hbm>>
      tpu.enqueue_dma source(%arg9 : memref<312x8xf32, #tpu.memory_space<vmem>>) target(%dma_start3A_60 : memref<312x8xf32, #tpu.memory_space<hbm>>) target_semaphore(%run_scoped3A_55 : memref<!tpu.dma_semaphore, #tpu.memory_space<semaphore_mem>>)
      %dma_wait3A = arith.constant 0 : i32
      %dma_wait3A_61 = tpu.memref_slice %arg5[%arg0, %mul3A_49, %dma_wait3A] : memref<2x5000x8xf32, #tpu.memory_space<hbm>> -> memref<1x312x8xf32, #tpu.memory_space<hbm>>
      %dma_wait3A_62 = tpu.memref_squeeze %dma_wait3A_61 : memref<1x312x8xf32, #tpu.memory_space<hbm>> -> memref<312x8xf32, #tpu.memory_space<hbm>>
      %dma_wait3A_63 = arith.constant 0 : i32
      %dma_wait3A_64 = tpu.memref_slice %arg5[%arg0, %mul3A_49, %dma_wait3A_63] : memref<2x5000x8xf32, #tpu.memory_space<hbm>> -> memref<1x312x8xf32, #tpu.memory_space<hbm>>
      %dma_wait3A_65 = tpu.memref_squeeze %dma_wait3A_64 : memref<1x312x8xf32, #tpu.memory_space<hbm>> -> memref<312x8xf32, #tpu.memory_space<hbm>>
      tpu.wait_dma2 semaphore(%run_scoped3A_55 : memref<!tpu.dma_semaphore, #tpu.memory_space<semaphore_mem>>) src(%arg9 : memref<312x8xf32, #tpu.memory_space<vmem>>) dst(%dma_wait3A_65 : memref<312x8xf32, #tpu.memory_space<hbm>>)
      tpu.yield
    }) : () -> ()
    %eq3A_50 = arith.constant 0 : i32
    %eq3A_51 = arith.cmpi eq, %arg1, %eq3A_50 : i32
    %convert_element_type3A_52 = arith.extui %eq3A_51 : i1 to i32
    %cond3A_53 = arith.constant 0 : i32
    %cond3A_54 = arith.cmpi ne, %convert_element_type3A_52, %cond3A_53 : i32
    scf.if %cond3A_54 {
      "tpu.region"() ({
        %run_scoped3A_55 = tpu.sem_alloc : memref<!tpu.dma_semaphore, #tpu.memory_space<semaphore_mem>>
        %dma_start3A = arith.constant 0 : i32
        %dma_start3A_56 = arith.constant 0 : i32
        %dma_start3A_57 = tpu.memref_slice %arg9[%dma_start3A, %dma_start3A_56] : memref<312x8xf32, #tpu.memory_space<vmem>> -> memref<8x8xf32, #tpu.memory_space<vmem>>
        %dma_start3A_58 = arith.constant 4992 : i32
        %dma_start3A_59 = arith.constant 0 : i32
        %dma_start3A_60 = tpu.memref_slice %arg10[%dma_start3A_58, %dma_start3A_59] : memref<5008x8xf32, #tpu.memory_space<vmem_shared>> -> memref<8x8xf32, #tpu.memory_space<vmem_shared>>
        %dma_start3A_61 = arith.constant 0 : i32
        %dma_start3A_62 = arith.constant 0 : i32
        %dma_start3A_63 = tpu.memref_slice %arg9[%dma_start3A_61, %dma_start3A_62] : memref<312x8xf32, #tpu.memory_space<vmem>> -> memref<8x8xf32, #tpu.memory_space<vmem>>
        %dma_start3A_64 = arith.constant 4992 : i32
        %dma_start3A_65 = arith.constant 0 : i32
        %dma_start3A_66 = tpu.memref_slice %arg10[%dma_start3A_64, %dma_start3A_65] : memref<5008x8xf32, #tpu.memory_space<vmem_shared>> -> memref<8x8xf32, #tpu.memory_space<vmem_shared>>
        tpu.enqueue_dma source(%dma_start3A_66 : memref<8x8xf32, #tpu.memory_space<vmem_shared>>) target(%dma_start3A_63 : memref<8x8xf32, #tpu.memory_space<vmem>>) target_semaphore(%run_scoped3A_55 : memref<!tpu.dma_semaphore, #tpu.memory_space<semaphore_mem>>)
        %dma_wait3A = arith.constant 0 : i32
        %dma_wait3A_67 = arith.constant 0 : i32
        %dma_wait3A_68 = tpu.memref_slice %arg9[%dma_wait3A, %dma_wait3A_67] : memref<312x8xf32, #tpu.memory_space<vmem>> -> memref<8x8xf32, #tpu.memory_space<vmem>>
        %dma_wait3A_69 = arith.constant 4992 : i32
        %dma_wait3A_70 = arith.constant 0 : i32
        %dma_wait3A_71 = tpu.memref_slice %arg10[%dma_wait3A_69, %dma_wait3A_70] : memref<5008x8xf32, #tpu.memory_space<vmem_shared>> -> memref<8x8xf32, #tpu.memory_space<vmem_shared>>
        %dma_wait3A_72 = arith.constant 0 : i32
        %dma_wait3A_73 = arith.constant 0 : i32
        %dma_wait3A_74 = tpu.memref_slice %arg9[%dma_wait3A_72, %dma_wait3A_73] : memref<312x8xf32, #tpu.memory_space<vmem>> -> memref<8x8xf32, #tpu.memory_space<vmem>>
        %dma_wait3A_75 = arith.constant 4992 : i32
        %dma_wait3A_76 = arith.constant 0 : i32
        %dma_wait3A_77 = tpu.memref_slice %arg10[%dma_wait3A_75, %dma_wait3A_76] : memref<5008x8xf32, #tpu.memory_space<vmem_shared>> -> memref<8x8xf32, #tpu.memory_space<vmem_shared>>
        tpu.wait_dma2 semaphore(%run_scoped3A_55 : memref<!tpu.dma_semaphore, #tpu.memory_space<semaphore_mem>>) src(%dma_wait3A_77 : memref<8x8xf32, #tpu.memory_space<vmem_shared>>) dst(%dma_wait3A_74 : memref<8x8xf32, #tpu.memory_space<vmem>>)
        tpu.yield
      }) : () -> ()
      "tpu.region"() ({
        %run_scoped3A_55 = tpu.sem_alloc : memref<!tpu.dma_semaphore, #tpu.memory_space<semaphore_mem>>
        %dma_start3A = arith.constant 0 : i32
        %dma_start3A_56 = arith.constant 0 : i32
        %dma_start3A_57 = tpu.memref_slice %arg9[%dma_start3A, %dma_start3A_56] : memref<312x8xf32, #tpu.memory_space<vmem>> -> memref<8x8xf32, #tpu.memory_space<vmem>>
        %dma_start3A_58 = arith.constant 4992 : i32
        %dma_start3A_59 = arith.constant 0 : i32
        %dma_start3A_60 = tpu.memref_slice %arg5[%arg0, %dma_start3A_58, %dma_start3A_59] : memref<2x5000x8xf32, #tpu.memory_space<hbm>> -> memref<1x8x8xf32, #tpu.memory_space<hbm>>
        %dma_start3A_61 = tpu.memref_squeeze %dma_start3A_60 : memref<1x8x8xf32, #tpu.memory_space<hbm>> -> memref<8x8xf32, #tpu.memory_space<hbm>>
        %dma_start3A_62 = arith.constant 4992 : i32
        %dma_start3A_63 = arith.constant 0 : i32
        %dma_start3A_64 = tpu.memref_slice %arg5[%arg0, %dma_start3A_62, %dma_start3A_63] : memref<2x5000x8xf32, #tpu.memory_space<hbm>> -> memref<1x8x8xf32, #tpu.memory_space<hbm>>
        %dma_start3A_65 = tpu.memref_squeeze %dma_start3A_64 : memref<1x8x8xf32, #tpu.memory_space<hbm>> -> memref<8x8xf32, #tpu.memory_space<hbm>>
        %dma_start3A_66 = arith.constant 0 : i32
        %dma_start3A_67 = arith.constant 0 : i32
        %dma_start3A_68 = tpu.memref_slice %arg9[%dma_start3A_66, %dma_start3A_67] : memref<312x8xf32, #tpu.memory_space<vmem>> -> memref<8x8xf32, #tpu.memory_space<vmem>>
        tpu.enqueue_dma source(%dma_start3A_68 : memref<8x8xf32, #tpu.memory_space<vmem>>) target(%dma_start3A_65 : memref<8x8xf32, #tpu.memory_space<hbm>>) target_semaphore(%run_scoped3A_55 : memref<!tpu.dma_semaphore, #tpu.memory_space<semaphore_mem>>)
        %dma_wait3A = arith.constant 0 : i32
        %dma_wait3A_69 = arith.constant 0 : i32
        %dma_wait3A_70 = tpu.memref_slice %arg9[%dma_wait3A, %dma_wait3A_69] : memref<312x8xf32, #tpu.memory_space<vmem>> -> memref<8x8xf32, #tpu.memory_space<vmem>>
        %dma_wait3A_71 = arith.constant 4992 : i32
        %dma_wait3A_72 = arith.constant 0 : i32
        %dma_wait3A_73 = tpu.memref_slice %arg5[%arg0, %dma_wait3A_71, %dma_wait3A_72] : memref<2x5000x8xf32, #tpu.memory_space<hbm>> -> memref<1x8x8xf32, #tpu.memory_space<hbm>>
        %dma_wait3A_74 = tpu.memref_squeeze %dma_wait3A_73 : memref<1x8x8xf32, #tpu.memory_space<hbm>> -> memref<8x8xf32, #tpu.memory_space<hbm>>
        %dma_wait3A_75 = arith.constant 4992 : i32
        %dma_wait3A_76 = arith.constant 0 : i32
        %dma_wait3A_77 = tpu.memref_slice %arg5[%arg0, %dma_wait3A_75, %dma_wait3A_76] : memref<2x5000x8xf32, #tpu.memory_space<hbm>> -> memref<1x8x8xf32, #tpu.memory_space<hbm>>
        %dma_wait3A_78 = tpu.memref_squeeze %dma_wait3A_77 : memref<1x8x8xf32, #tpu.memory_space<hbm>> -> memref<8x8xf32, #tpu.memory_space<hbm>>
        %dma_wait3A_79 = arith.constant 0 : i32
        %dma_wait3A_80 = arith.constant 0 : i32
        %dma_wait3A_81 = tpu.memref_slice %arg9[%dma_wait3A_79, %dma_wait3A_80] : memref<312x8xf32, #tpu.memory_space<vmem>> -> memref<8x8xf32, #tpu.memory_space<vmem>>
        tpu.wait_dma2 semaphore(%run_scoped3A_55 : memref<!tpu.dma_semaphore, #tpu.memory_space<semaphore_mem>>) src(%dma_wait3A_81 : memref<8x8xf32, #tpu.memory_space<vmem>>) dst(%dma_wait3A_78 : memref<8x8xf32, #tpu.memory_space<hbm>>)
        tpu.yield
      }) : () -> ()
    } else {
    }
    return
  }
}

#map = affine_map<(d0, d1) -> (0, 0)>
#map1 = affine_map<(d0, d1) -> (0)>
#map2 = affine_map<(d0, d1) -> (0, 0, 0)>
module attributes {stable_mosaic.version = 14 : i64} {
  func.func @k(%arg0: i32, %arg1: i32, %arg2: memref<10000x128xf32, #tpu.memory_space<hbm>>, %arg3: memref<320000xi32, #tpu.memory_space<hbm>>, %arg4: memref<320000xi32, #tpu.memory_space<hbm>>, %arg5: memref<104x128xf32, #tpu.memory_space<hbm>>, %arg6: memref<2x10000x128xf32, #tpu.memory_space<hbm>>, %arg7: memref<1x128xi32, #tpu.memory_space<vmem>>, %arg8: memref<1x128xi32, #tpu.memory_space<vmem>>, %arg9: memref<1x128x128xf32, #tpu.memory_space<vmem>>, %arg10: memref<104x128xf32, #tpu.memory_space<vmem>>, %arg11: memref<10000x128xf32, #tpu.memory_space<vmem_shared>>, %arg12: memref<!tpu.dma_semaphore, #tpu.memory_space<semaphore_mem>>, %arg13: memref<1x16xi32, #tpu.memory_space<vmem>>, %arg14: memref<1x16xi32, #tpu.memory_space<vmem>>, %arg15: memref<16x128xf32, #tpu.memory_space<vmem>>) attributes {dimension_semantics = [#tpu.dimension_semantics<core_parallel>, #tpu.dimension_semantics<subcore_parallel>], iteration_bounds = array<i64: 2, 16>, scalar_prefetch = 0 : i64, scratch_operands = 9 : i64, tpu.core_type = #tpu.core_type<sc_vector_subcore>, window_params = [{transform_indices = #map}, {transform_indices = #map1}, {transform_indices = #map1}, {transform_indices = #map}, {transform_indices = #map2}]} {
    %mul3A = arith.constant 16 : i32
    %mul3A_0 = arith.muli %arg0, %mul3A : i32
    %add3A = arith.addi %mul3A_0, %arg1 : i32
    %mul3A_1 = arith.constant 10000 : i32
    %mul3A_2 = arith.muli %add3A, %mul3A_1 : i32
    "tpu.region"() ({
      %run_scoped3A_104 = tpu.sem_alloc : memref<!tpu.dma_semaphore, #tpu.memory_space<semaphore_mem>>
      tpu.enqueue_dma source(%arg5 : memref<104x128xf32, #tpu.memory_space<hbm>>) target(%arg10 : memref<104x128xf32, #tpu.memory_space<vmem>>) target_semaphore(%run_scoped3A_104 : memref<!tpu.dma_semaphore, #tpu.memory_space<semaphore_mem>>)
      tpu.wait_dma2 semaphore(%run_scoped3A_104 : memref<!tpu.dma_semaphore, #tpu.memory_space<semaphore_mem>>) src(%arg5 : memref<104x128xf32, #tpu.memory_space<hbm>>) dst(%arg10 : memref<104x128xf32, #tpu.memory_space<vmem>>)
      tpu.yield
    }) : () -> ()
    %mul3A_3 = arith.constant 624 : i32
    %mul3A_4 = arith.muli %arg1, %mul3A_3 : i32
    %add3A_5 = arith.constant 0 : i32
    %add3A_6 = arith.addi %mul3A_4, %add3A_5 : i32
    "tpu.region"() ({
      %run_scoped3A_104 = tpu.sem_alloc : memref<!tpu.dma_semaphore, #tpu.memory_space<semaphore_mem>>
      %dma_start3A_105 = arith.constant 0 : i32
      %dma_start3A_106 = tpu.memref_slice %arg11[%add3A_6, %dma_start3A_105] : memref<10000x128xf32, #tpu.memory_space<vmem_shared>> -> memref<104x128xf32, #tpu.memory_space<vmem_shared>>
      %dma_start3A_107 = arith.constant 0 : i32
      %dma_start3A_108 = tpu.memref_slice %arg11[%add3A_6, %dma_start3A_107] : memref<10000x128xf32, #tpu.memory_space<vmem_shared>> -> memref<104x128xf32, #tpu.memory_space<vmem_shared>>
      tpu.enqueue_dma source(%arg10 : memref<104x128xf32, #tpu.memory_space<vmem>>) target(%dma_start3A_108 : memref<104x128xf32, #tpu.memory_space<vmem_shared>>) target_semaphore(%run_scoped3A_104 : memref<!tpu.dma_semaphore, #tpu.memory_space<semaphore_mem>>)
      %dma_wait3A_109 = arith.constant 0 : i32
      %dma_wait3A_110 = tpu.memref_slice %arg11[%add3A_6, %dma_wait3A_109] : memref<10000x128xf32, #tpu.memory_space<vmem_shared>> -> memref<104x128xf32, #tpu.memory_space<vmem_shared>>
      %dma_wait3A_111 = arith.constant 0 : i32
      %dma_wait3A_112 = tpu.memref_slice %arg11[%add3A_6, %dma_wait3A_111] : memref<10000x128xf32, #tpu.memory_space<vmem_shared>> -> memref<104x128xf32, #tpu.memory_space<vmem_shared>>
      tpu.wait_dma2 semaphore(%run_scoped3A_104 : memref<!tpu.dma_semaphore, #tpu.memory_space<semaphore_mem>>) src(%arg10 : memref<104x128xf32, #tpu.memory_space<vmem>>) dst(%dma_wait3A_112 : memref<104x128xf32, #tpu.memory_space<vmem_shared>>)
      tpu.yield
    }) : () -> ()
    %mul3A_7 = arith.constant 624 : i32
    %mul3A_8 = arith.muli %arg1, %mul3A_7 : i32
    %add3A_9 = arith.constant 104 : i32
    %add3A_10 = arith.addi %mul3A_8, %add3A_9 : i32
    "tpu.region"() ({
      %run_scoped3A_104 = tpu.sem_alloc : memref<!tpu.dma_semaphore, #tpu.memory_space<semaphore_mem>>
      %dma_start3A_105 = arith.constant 0 : i32
      %dma_start3A_106 = tpu.memref_slice %arg11[%add3A_10, %dma_start3A_105] : memref<10000x128xf32, #tpu.memory_space<vmem_shared>> -> memref<104x128xf32, #tpu.memory_space<vmem_shared>>
      %dma_start3A_107 = arith.constant 0 : i32
      %dma_start3A_108 = tpu.memref_slice %arg11[%add3A_10, %dma_start3A_107] : memref<10000x128xf32, #tpu.memory_space<vmem_shared>> -> memref<104x128xf32, #tpu.memory_space<vmem_shared>>
      tpu.enqueue_dma source(%arg10 : memref<104x128xf32, #tpu.memory_space<vmem>>) target(%dma_start3A_108 : memref<104x128xf32, #tpu.memory_space<vmem_shared>>) target_semaphore(%run_scoped3A_104 : memref<!tpu.dma_semaphore, #tpu.memory_space<semaphore_mem>>)
      %dma_wait3A_109 = arith.constant 0 : i32
      %dma_wait3A_110 = tpu.memref_slice %arg11[%add3A_10, %dma_wait3A_109] : memref<10000x128xf32, #tpu.memory_space<vmem_shared>> -> memref<104x128xf32, #tpu.memory_space<vmem_shared>>
      %dma_wait3A_111 = arith.constant 0 : i32
      %dma_wait3A_112 = tpu.memref_slice %arg11[%add3A_10, %dma_wait3A_111] : memref<10000x128xf32, #tpu.memory_space<vmem_shared>> -> memref<104x128xf32, #tpu.memory_space<vmem_shared>>
      tpu.wait_dma2 semaphore(%run_scoped3A_104 : memref<!tpu.dma_semaphore, #tpu.memory_space<semaphore_mem>>) src(%arg10 : memref<104x128xf32, #tpu.memory_space<vmem>>) dst(%dma_wait3A_112 : memref<104x128xf32, #tpu.memory_space<vmem_shared>>)
      tpu.yield
    }) : () -> ()
    %mul3A_11 = arith.constant 624 : i32
    %mul3A_12 = arith.muli %arg1, %mul3A_11 : i32
    %add3A_13 = arith.constant 208 : i32
    %add3A_14 = arith.addi %mul3A_12, %add3A_13 : i32
    "tpu.region"() ({
      %run_scoped3A_104 = tpu.sem_alloc : memref<!tpu.dma_semaphore, #tpu.memory_space<semaphore_mem>>
      %dma_start3A_105 = arith.constant 0 : i32
      %dma_start3A_106 = tpu.memref_slice %arg11[%add3A_14, %dma_start3A_105] : memref<10000x128xf32, #tpu.memory_space<vmem_shared>> -> memref<104x128xf32, #tpu.memory_space<vmem_shared>>
      %dma_start3A_107 = arith.constant 0 : i32
      %dma_start3A_108 = tpu.memref_slice %arg11[%add3A_14, %dma_start3A_107] : memref<10000x128xf32, #tpu.memory_space<vmem_shared>> -> memref<104x128xf32, #tpu.memory_space<vmem_shared>>
      tpu.enqueue_dma source(%arg10 : memref<104x128xf32, #tpu.memory_space<vmem>>) target(%dma_start3A_108 : memref<104x128xf32, #tpu.memory_space<vmem_shared>>) target_semaphore(%run_scoped3A_104 : memref<!tpu.dma_semaphore, #tpu.memory_space<semaphore_mem>>)
      %dma_wait3A_109 = arith.constant 0 : i32
      %dma_wait3A_110 = tpu.memref_slice %arg11[%add3A_14, %dma_wait3A_109] : memref<10000x128xf32, #tpu.memory_space<vmem_shared>> -> memref<104x128xf32, #tpu.memory_space<vmem_shared>>
      %dma_wait3A_111 = arith.constant 0 : i32
      %dma_wait3A_112 = tpu.memref_slice %arg11[%add3A_14, %dma_wait3A_111] : memref<10000x128xf32, #tpu.memory_space<vmem_shared>> -> memref<104x128xf32, #tpu.memory_space<vmem_shared>>
      tpu.wait_dma2 semaphore(%run_scoped3A_104 : memref<!tpu.dma_semaphore, #tpu.memory_space<semaphore_mem>>) src(%arg10 : memref<104x128xf32, #tpu.memory_space<vmem>>) dst(%dma_wait3A_112 : memref<104x128xf32, #tpu.memory_space<vmem_shared>>)
      tpu.yield
    }) : () -> ()
    %mul3A_15 = arith.constant 624 : i32
    %mul3A_16 = arith.muli %arg1, %mul3A_15 : i32
    %add3A_17 = arith.constant 312 : i32
    %add3A_18 = arith.addi %mul3A_16, %add3A_17 : i32
    "tpu.region"() ({
      %run_scoped3A_104 = tpu.sem_alloc : memref<!tpu.dma_semaphore, #tpu.memory_space<semaphore_mem>>
      %dma_start3A_105 = arith.constant 0 : i32
      %dma_start3A_106 = tpu.memref_slice %arg11[%add3A_18, %dma_start3A_105] : memref<10000x128xf32, #tpu.memory_space<vmem_shared>> -> memref<104x128xf32, #tpu.memory_space<vmem_shared>>
      %dma_start3A_107 = arith.constant 0 : i32
      %dma_start3A_108 = tpu.memref_slice %arg11[%add3A_18, %dma_start3A_107] : memref<10000x128xf32, #tpu.memory_space<vmem_shared>> -> memref<104x128xf32, #tpu.memory_space<vmem_shared>>
      tpu.enqueue_dma source(%arg10 : memref<104x128xf32, #tpu.memory_space<vmem>>) target(%dma_start3A_108 : memref<104x128xf32, #tpu.memory_space<vmem_shared>>) target_semaphore(%run_scoped3A_104 : memref<!tpu.dma_semaphore, #tpu.memory_space<semaphore_mem>>)
      %dma_wait3A_109 = arith.constant 0 : i32
      %dma_wait3A_110 = tpu.memref_slice %arg11[%add3A_18, %dma_wait3A_109] : memref<10000x128xf32, #tpu.memory_space<vmem_shared>> -> memref<104x128xf32, #tpu.memory_space<vmem_shared>>
      %dma_wait3A_111 = arith.constant 0 : i32
      %dma_wait3A_112 = tpu.memref_slice %arg11[%add3A_18, %dma_wait3A_111] : memref<10000x128xf32, #tpu.memory_space<vmem_shared>> -> memref<104x128xf32, #tpu.memory_space<vmem_shared>>
      tpu.wait_dma2 semaphore(%run_scoped3A_104 : memref<!tpu.dma_semaphore, #tpu.memory_space<semaphore_mem>>) src(%arg10 : memref<104x128xf32, #tpu.memory_space<vmem>>) dst(%dma_wait3A_112 : memref<104x128xf32, #tpu.memory_space<vmem_shared>>)
      tpu.yield
    }) : () -> ()
    %mul3A_19 = arith.constant 624 : i32
    %mul3A_20 = arith.muli %arg1, %mul3A_19 : i32
    %add3A_21 = arith.constant 416 : i32
    %add3A_22 = arith.addi %mul3A_20, %add3A_21 : i32
    "tpu.region"() ({
      %run_scoped3A_104 = tpu.sem_alloc : memref<!tpu.dma_semaphore, #tpu.memory_space<semaphore_mem>>
      %dma_start3A_105 = arith.constant 0 : i32
      %dma_start3A_106 = tpu.memref_slice %arg11[%add3A_22, %dma_start3A_105] : memref<10000x128xf32, #tpu.memory_space<vmem_shared>> -> memref<104x128xf32, #tpu.memory_space<vmem_shared>>
      %dma_start3A_107 = arith.constant 0 : i32
      %dma_start3A_108 = tpu.memref_slice %arg11[%add3A_22, %dma_start3A_107] : memref<10000x128xf32, #tpu.memory_space<vmem_shared>> -> memref<104x128xf32, #tpu.memory_space<vmem_shared>>
      tpu.enqueue_dma source(%arg10 : memref<104x128xf32, #tpu.memory_space<vmem>>) target(%dma_start3A_108 : memref<104x128xf32, #tpu.memory_space<vmem_shared>>) target_semaphore(%run_scoped3A_104 : memref<!tpu.dma_semaphore, #tpu.memory_space<semaphore_mem>>)
      %dma_wait3A_109 = arith.constant 0 : i32
      %dma_wait3A_110 = tpu.memref_slice %arg11[%add3A_22, %dma_wait3A_109] : memref<10000x128xf32, #tpu.memory_space<vmem_shared>> -> memref<104x128xf32, #tpu.memory_space<vmem_shared>>
      %dma_wait3A_111 = arith.constant 0 : i32
      %dma_wait3A_112 = tpu.memref_slice %arg11[%add3A_22, %dma_wait3A_111] : memref<10000x128xf32, #tpu.memory_space<vmem_shared>> -> memref<104x128xf32, #tpu.memory_space<vmem_shared>>
      tpu.wait_dma2 semaphore(%run_scoped3A_104 : memref<!tpu.dma_semaphore, #tpu.memory_space<semaphore_mem>>) src(%arg10 : memref<104x128xf32, #tpu.memory_space<vmem>>) dst(%dma_wait3A_112 : memref<104x128xf32, #tpu.memory_space<vmem_shared>>)
      tpu.yield
    }) : () -> ()
    %mul3A_23 = arith.constant 624 : i32
    %mul3A_24 = arith.muli %arg1, %mul3A_23 : i32
    %add3A_25 = arith.constant 520 : i32
    %add3A_26 = arith.addi %mul3A_24, %add3A_25 : i32
    "tpu.region"() ({
      %run_scoped3A_104 = tpu.sem_alloc : memref<!tpu.dma_semaphore, #tpu.memory_space<semaphore_mem>>
      %dma_start3A_105 = arith.constant 0 : i32
      %dma_start3A_106 = tpu.memref_slice %arg11[%add3A_26, %dma_start3A_105] : memref<10000x128xf32, #tpu.memory_space<vmem_shared>> -> memref<104x128xf32, #tpu.memory_space<vmem_shared>>
      %dma_start3A_107 = arith.constant 0 : i32
      %dma_start3A_108 = tpu.memref_slice %arg11[%add3A_26, %dma_start3A_107] : memref<10000x128xf32, #tpu.memory_space<vmem_shared>> -> memref<104x128xf32, #tpu.memory_space<vmem_shared>>
      tpu.enqueue_dma source(%arg10 : memref<104x128xf32, #tpu.memory_space<vmem>>) target(%dma_start3A_108 : memref<104x128xf32, #tpu.memory_space<vmem_shared>>) target_semaphore(%run_scoped3A_104 : memref<!tpu.dma_semaphore, #tpu.memory_space<semaphore_mem>>)
      %dma_wait3A_109 = arith.constant 0 : i32
      %dma_wait3A_110 = tpu.memref_slice %arg11[%add3A_26, %dma_wait3A_109] : memref<10000x128xf32, #tpu.memory_space<vmem_shared>> -> memref<104x128xf32, #tpu.memory_space<vmem_shared>>
      %dma_wait3A_111 = arith.constant 0 : i32
      %dma_wait3A_112 = tpu.memref_slice %arg11[%add3A_26, %dma_wait3A_111] : memref<10000x128xf32, #tpu.memory_space<vmem_shared>> -> memref<104x128xf32, #tpu.memory_space<vmem_shared>>
      tpu.wait_dma2 semaphore(%run_scoped3A_104 : memref<!tpu.dma_semaphore, #tpu.memory_space<semaphore_mem>>) src(%arg10 : memref<104x128xf32, #tpu.memory_space<vmem>>) dst(%dma_wait3A_112 : memref<104x128xf32, #tpu.memory_space<vmem_shared>>)
      tpu.yield
    }) : () -> ()
    %eq3A = arith.constant 0 : i32
    %eq3A_27 = arith.cmpi eq, %arg1, %eq3A : i32
    %convert_element_type3A = arith.extui %eq3A_27 : i1 to i32
    %cond3A = arith.constant 0 : i32
    %cond3A_28 = arith.cmpi ne, %convert_element_type3A, %cond3A : i32
    scf.if %cond3A_28 {
      "tpu.region"() ({
        %run_scoped3A_104 = tpu.sem_alloc : memref<!tpu.dma_semaphore, #tpu.memory_space<semaphore_mem>>
        %dma_start3A_105 = arith.constant 0 : i32
        %dma_start3A_106 = arith.constant 0 : i32
        %dma_start3A_107 = tpu.memref_slice %arg10[%dma_start3A_105, %dma_start3A_106] : memref<104x128xf32, #tpu.memory_space<vmem>> -> memref<16x128xf32, #tpu.memory_space<vmem>>
        %dma_start3A_108 = arith.constant 9984 : i32
        %dma_start3A_109 = arith.constant 0 : i32
        %dma_start3A_110 = tpu.memref_slice %arg11[%dma_start3A_108, %dma_start3A_109] : memref<10000x128xf32, #tpu.memory_space<vmem_shared>> -> memref<16x128xf32, #tpu.memory_space<vmem_shared>>
        %dma_start3A_111 = arith.constant 9984 : i32
        %dma_start3A_112 = arith.constant 0 : i32
        %dma_start3A_113 = tpu.memref_slice %arg11[%dma_start3A_111, %dma_start3A_112] : memref<10000x128xf32, #tpu.memory_space<vmem_shared>> -> memref<16x128xf32, #tpu.memory_space<vmem_shared>>
        %dma_start3A_114 = arith.constant 0 : i32
        %dma_start3A_115 = arith.constant 0 : i32
        %dma_start3A_116 = tpu.memref_slice %arg10[%dma_start3A_114, %dma_start3A_115] : memref<104x128xf32, #tpu.memory_space<vmem>> -> memref<16x128xf32, #tpu.memory_space<vmem>>
        tpu.enqueue_dma source(%dma_start3A_116 : memref<16x128xf32, #tpu.memory_space<vmem>>) target(%dma_start3A_113 : memref<16x128xf32, #tpu.memory_space<vmem_shared>>) target_semaphore(%run_scoped3A_104 : memref<!tpu.dma_semaphore, #tpu.memory_space<semaphore_mem>>)
        %dma_wait3A_117 = arith.constant 0 : i32
        %dma_wait3A_118 = arith.constant 0 : i32
        %dma_wait3A_119 = tpu.memref_slice %arg10[%dma_wait3A_117, %dma_wait3A_118] : memref<104x128xf32, #tpu.memory_space<vmem>> -> memref<16x128xf32, #tpu.memory_space<vmem>>
        %dma_wait3A_120 = arith.constant 9984 : i32
        %dma_wait3A_121 = arith.constant 0 : i32
        %dma_wait3A_122 = tpu.memref_slice %arg11[%dma_wait3A_120, %dma_wait3A_121] : memref<10000x128xf32, #tpu.memory_space<vmem_shared>> -> memref<16x128xf32, #tpu.memory_space<vmem_shared>>
        %dma_wait3A_123 = arith.constant 9984 : i32
        %dma_wait3A_124 = arith.constant 0 : i32
        %dma_wait3A_125 = tpu.memref_slice %arg11[%dma_wait3A_123, %dma_wait3A_124] : memref<10000x128xf32, #tpu.memory_space<vmem_shared>> -> memref<16x128xf32, #tpu.memory_space<vmem_shared>>
        %dma_wait3A_126 = arith.constant 0 : i32
        %dma_wait3A_127 = arith.constant 0 : i32
        %dma_wait3A_128 = tpu.memref_slice %arg10[%dma_wait3A_126, %dma_wait3A_127] : memref<104x128xf32, #tpu.memory_space<vmem>> -> memref<16x128xf32, #tpu.memory_space<vmem>>
        tpu.wait_dma2 semaphore(%run_scoped3A_104 : memref<!tpu.dma_semaphore, #tpu.memory_space<semaphore_mem>>) src(%dma_wait3A_128 : memref<16x128xf32, #tpu.memory_space<vmem>>) dst(%dma_wait3A_125 : memref<16x128xf32, #tpu.memory_space<vmem_shared>>)
        tpu.yield
      }) : () -> ()
    } else {
    }
    %barrier3A = arith.constant 0 : index
    tpu.barrier barrier_id(%barrier3A)
    %scan3A = arith.constant 0 : i32
    %scan3A_29 = arith.constant 0 : i32
    %scan3A_30 = arith.constant 78 : i32
    %scan3A_31 = arith.addi %scan3A_29, %scan3A_30 : i32
    %scan3A_32 = arith.constant 1 : i32
    scf.for %scan3A_104 = %scan3A_29 to %scan3A_31 step %scan3A_32  : i32 {
      %mul3A_105 = arith.constant 128 : i32
      %mul3A_106 = arith.muli %scan3A_104, %mul3A_105 : i32
      %add3A_107 = arith.addi %mul3A_2, %mul3A_106 : i32
      %run_scoped3A_108 = arith.constant 0 : i32
      "tpu.region"() ({
        %run_scoped3A_136 = tpu.sem_alloc : memref<!tpu.dma_semaphore, #tpu.memory_space<semaphore_mem>>
        %dma_start3A_137 = arith.constant 0 : i32
        %dma_start3A_138 = tpu.memref_slice %arg7[%run_scoped3A_108, %dma_start3A_137] : memref<1x128xi32, #tpu.memory_space<vmem>> -> memref<1x128xi32, #tpu.memory_space<vmem>>
        %dma_start3A_139 = tpu.memref_squeeze %dma_start3A_138 : memref<1x128xi32, #tpu.memory_space<vmem>> -> memref<128xi32, #tpu.memory_space<vmem>>
        %dma_start3A_140 = tpu.memref_slice %arg3[%add3A_107] : memref<320000xi32, #tpu.memory_space<hbm>> -> memref<128xi32, #tpu.memory_space<hbm>>
        %dma_start3A_141 = arith.constant 0 : i32
        %dma_start3A_142 = tpu.memref_slice %arg7[%run_scoped3A_108, %dma_start3A_141] : memref<1x128xi32, #tpu.memory_space<vmem>> -> memref<1x128xi32, #tpu.memory_space<vmem>>
        %dma_start3A_143 = tpu.memref_squeeze %dma_start3A_142 : memref<1x128xi32, #tpu.memory_space<vmem>> -> memref<128xi32, #tpu.memory_space<vmem>>
        %dma_start3A_144 = tpu.memref_slice %arg3[%add3A_107] : memref<320000xi32, #tpu.memory_space<hbm>> -> memref<128xi32, #tpu.memory_space<hbm>>
        tpu.enqueue_dma source(%dma_start3A_144 : memref<128xi32, #tpu.memory_space<hbm>>) target(%dma_start3A_143 : memref<128xi32, #tpu.memory_space<vmem>>) target_semaphore(%run_scoped3A_136 : memref<!tpu.dma_semaphore, #tpu.memory_space<semaphore_mem>>)
        %dma_wait3A_145 = arith.constant 0 : i32
        %dma_wait3A_146 = tpu.memref_slice %arg7[%run_scoped3A_108, %dma_wait3A_145] : memref<1x128xi32, #tpu.memory_space<vmem>> -> memref<1x128xi32, #tpu.memory_space<vmem>>
        %dma_wait3A_147 = tpu.memref_squeeze %dma_wait3A_146 : memref<1x128xi32, #tpu.memory_space<vmem>> -> memref<128xi32, #tpu.memory_space<vmem>>
        %dma_wait3A_148 = tpu.memref_slice %arg3[%add3A_107] : memref<320000xi32, #tpu.memory_space<hbm>> -> memref<128xi32, #tpu.memory_space<hbm>>
        %dma_wait3A_149 = arith.constant 0 : i32
        %dma_wait3A_150 = tpu.memref_slice %arg7[%run_scoped3A_108, %dma_wait3A_149] : memref<1x128xi32, #tpu.memory_space<vmem>> -> memref<1x128xi32, #tpu.memory_space<vmem>>
        %dma_wait3A_151 = tpu.memref_squeeze %dma_wait3A_150 : memref<1x128xi32, #tpu.memory_space<vmem>> -> memref<128xi32, #tpu.memory_space<vmem>>
        %dma_wait3A_152 = tpu.memref_slice %arg3[%add3A_107] : memref<320000xi32, #tpu.memory_space<hbm>> -> memref<128xi32, #tpu.memory_space<hbm>>
        tpu.wait_dma2 semaphore(%run_scoped3A_136 : memref<!tpu.dma_semaphore, #tpu.memory_space<semaphore_mem>>) src(%dma_wait3A_152 : memref<128xi32, #tpu.memory_space<hbm>>) dst(%dma_wait3A_151 : memref<128xi32, #tpu.memory_space<vmem>>)
        tpu.yield
      }) : () -> ()
      %run_scoped3A_109 = arith.constant 0 : i32
      "tpu.region"() ({
        %run_scoped3A_136 = tpu.sem_alloc : memref<!tpu.dma_semaphore, #tpu.memory_space<semaphore_mem>>
        %dma_start3A_137 = arith.constant 0 : i32
        %dma_start3A_138 = tpu.memref_slice %arg8[%run_scoped3A_109, %dma_start3A_137] : memref<1x128xi32, #tpu.memory_space<vmem>> -> memref<1x128xi32, #tpu.memory_space<vmem>>
        %dma_start3A_139 = tpu.memref_squeeze %dma_start3A_138 : memref<1x128xi32, #tpu.memory_space<vmem>> -> memref<128xi32, #tpu.memory_space<vmem>>
        %dma_start3A_140 = tpu.memref_slice %arg4[%add3A_107] : memref<320000xi32, #tpu.memory_space<hbm>> -> memref<128xi32, #tpu.memory_space<hbm>>
        %dma_start3A_141 = arith.constant 0 : i32
        %dma_start3A_142 = tpu.memref_slice %arg8[%run_scoped3A_109, %dma_start3A_141] : memref<1x128xi32, #tpu.memory_space<vmem>> -> memref<1x128xi32, #tpu.memory_space<vmem>>
        %dma_start3A_143 = tpu.memref_squeeze %dma_start3A_142 : memref<1x128xi32, #tpu.memory_space<vmem>> -> memref<128xi32, #tpu.memory_space<vmem>>
        %dma_start3A_144 = tpu.memref_slice %arg4[%add3A_107] : memref<320000xi32, #tpu.memory_space<hbm>> -> memref<128xi32, #tpu.memory_space<hbm>>
        tpu.enqueue_dma source(%dma_start3A_144 : memref<128xi32, #tpu.memory_space<hbm>>) target(%dma_start3A_143 : memref<128xi32, #tpu.memory_space<vmem>>) target_semaphore(%run_scoped3A_136 : memref<!tpu.dma_semaphore, #tpu.memory_space<semaphore_mem>>)
        %dma_wait3A_145 = arith.constant 0 : i32
        %dma_wait3A_146 = tpu.memref_slice %arg8[%run_scoped3A_109, %dma_wait3A_145] : memref<1x128xi32, #tpu.memory_space<vmem>> -> memref<1x128xi32, #tpu.memory_space<vmem>>
        %dma_wait3A_147 = tpu.memref_squeeze %dma_wait3A_146 : memref<1x128xi32, #tpu.memory_space<vmem>> -> memref<128xi32, #tpu.memory_space<vmem>>
        %dma_wait3A_148 = tpu.memref_slice %arg4[%add3A_107] : memref<320000xi32, #tpu.memory_space<hbm>> -> memref<128xi32, #tpu.memory_space<hbm>>
        %dma_wait3A_149 = arith.constant 0 : i32
        %dma_wait3A_150 = tpu.memref_slice %arg8[%run_scoped3A_109, %dma_wait3A_149] : memref<1x128xi32, #tpu.memory_space<vmem>> -> memref<1x128xi32, #tpu.memory_space<vmem>>
        %dma_wait3A_151 = tpu.memref_squeeze %dma_wait3A_150 : memref<1x128xi32, #tpu.memory_space<vmem>> -> memref<128xi32, #tpu.memory_space<vmem>>
        %dma_wait3A_152 = tpu.memref_slice %arg4[%add3A_107] : memref<320000xi32, #tpu.memory_space<hbm>> -> memref<128xi32, #tpu.memory_space<hbm>>
        tpu.wait_dma2 semaphore(%run_scoped3A_136 : memref<!tpu.dma_semaphore, #tpu.memory_space<semaphore_mem>>) src(%dma_wait3A_152 : memref<128xi32, #tpu.memory_space<hbm>>) dst(%dma_wait3A_151 : memref<128xi32, #tpu.memory_space<vmem>>)
        tpu.yield
      }) : () -> ()
      %dma_start3A_110 = arith.constant 0 : i32
      %dma_start3A_111 = arith.constant 0 : i32
      %dma_start3A_112 = arith.constant 0 : i32
      %dma_start3A_113 = arith.constant 0 : i32
      %dma_start3A_114 = tpu.memref_slice %arg9[%dma_start3A_111, %dma_start3A_112, %dma_start3A_113] : memref<1x128x128xf32, #tpu.memory_space<vmem>> -> memref<1x128x128xf32, #tpu.memory_space<vmem>>
      %dma_start3A_115 = tpu.memref_squeeze %dma_start3A_114 : memref<1x128x128xf32, #tpu.memory_space<vmem>> -> memref<128x128xf32, #tpu.memory_space<vmem>>
      %dma_start3A_116 = arith.constant 0 : i32
      %dma_start3A_117 = tpu.memref_slice %arg7[%dma_start3A_110, %dma_start3A_116] : memref<1x128xi32, #tpu.memory_space<vmem>> -> memref<1x128xi32, #tpu.memory_space<vmem>>
      %dma_start3A_118 = tpu.memref_squeeze %dma_start3A_117 : memref<1x128xi32, #tpu.memory_space<vmem>> -> memref<128xi32, #tpu.memory_space<vmem>>
      %dma_start3A_119 = arith.constant 0 : i32
      %dma_start3A_120 = arith.constant 0 : i32
      %dma_start3A_121 = tpu.memref_slice %arg2[%dma_start3A_119, %dma_start3A_120] : memref<10000x128xf32, #tpu.memory_space<hbm>> -> memref<10000x128xf32, #tpu.memory_space<hbm>>
      tpu.enqueue_indirect_dma source(%dma_start3A_121 : memref<10000x128xf32, #tpu.memory_space<hbm>>) target(%dma_start3A_115 : memref<128x128xf32, #tpu.memory_space<vmem>>) offsets(%dma_start3A_118 : memref<128xi32, #tpu.memory_space<vmem>>) semaphore(%arg12 : memref<!tpu.dma_semaphore, #tpu.memory_space<semaphore_mem>>)
      %dma_wait3A_122 = arith.constant 0 : i32
      %dma_wait3A_123 = arith.constant 0 : i32
      %dma_wait3A_124 = arith.constant 0 : i32
      %dma_wait3A_125 = arith.constant 0 : i32
      %dma_wait3A_126 = tpu.memref_slice %arg9[%dma_wait3A_123, %dma_wait3A_124, %dma_wait3A_125] : memref<1x128x128xf32, #tpu.memory_space<vmem>> -> memref<1x128x128xf32, #tpu.memory_space<vmem>>
      %dma_wait3A_127 = tpu.memref_squeeze %dma_wait3A_126 : memref<1x128x128xf32, #tpu.memory_space<vmem>> -> memref<128x128xf32, #tpu.memory_space<vmem>>
      %dma_wait3A_128 = arith.constant 0 : i32
      %dma_wait3A_129 = tpu.memref_slice %arg7[%dma_wait3A_122, %dma_wait3A_128] : memref<1x128xi32, #tpu.memory_space<vmem>> -> memref<1x128xi32, #tpu.memory_space<vmem>>
      %dma_wait3A_130 = tpu.memref_squeeze %dma_wait3A_129 : memref<1x128xi32, #tpu.memory_space<vmem>> -> memref<128xi32, #tpu.memory_space<vmem>>
      %dma_wait3A_131 = arith.constant 0 : i32
      %dma_wait3A_132 = arith.constant 0 : i32
      %dma_wait3A_133 = tpu.memref_slice %arg2[%dma_wait3A_131, %dma_wait3A_132] : memref<10000x128xf32, #tpu.memory_space<hbm>> -> memref<10000x128xf32, #tpu.memory_space<hbm>>
      tpu.wait_indirect_dma semaphore(%arg12 : memref<!tpu.dma_semaphore, #tpu.memory_space<semaphore_mem>>) src(%dma_wait3A_133 : memref<10000x128xf32, #tpu.memory_space<hbm>>) dst(%dma_wait3A_127 : memref<128x128xf32, #tpu.memory_space<vmem>>)
      %run_scoped3A_134 = arith.constant 0 : i32
      %run_scoped3A_135 = arith.constant 0 : i32
      "tpu.region"() ({
        %run_scoped3A_136 = tpu.sem_alloc : memref<!tpu.dma_semaphore, #tpu.memory_space<semaphore_mem>>
        %dma_start3A_137 = arith.constant 0 : i32
        %dma_start3A_138 = arith.constant 0 : i32
        %dma_start3A_139 = tpu.memref_slice %arg9[%run_scoped3A_134, %dma_start3A_137, %dma_start3A_138] : memref<1x128x128xf32, #tpu.memory_space<vmem>> -> memref<1x128x128xf32, #tpu.memory_space<vmem>>
        %dma_start3A_140 = tpu.memref_squeeze %dma_start3A_139 : memref<1x128x128xf32, #tpu.memory_space<vmem>> -> memref<128x128xf32, #tpu.memory_space<vmem>>
        %dma_start3A_141 = arith.constant 0 : i32
        %dma_start3A_142 = tpu.memref_slice %arg8[%run_scoped3A_135, %dma_start3A_141] : memref<1x128xi32, #tpu.memory_space<vmem>> -> memref<1x128xi32, #tpu.memory_space<vmem>>
        %dma_start3A_143 = tpu.memref_squeeze %dma_start3A_142 : memref<1x128xi32, #tpu.memory_space<vmem>> -> memref<128xi32, #tpu.memory_space<vmem>>
        %dma_start3A_144 = arith.constant 0 : i32
        %dma_start3A_145 = arith.constant 0 : i32
        %dma_start3A_146 = tpu.memref_slice %arg11[%dma_start3A_144, %dma_start3A_145] : memref<10000x128xf32, #tpu.memory_space<vmem_shared>> -> memref<10000x128xf32, #tpu.memory_space<vmem_shared>>
        tpu.enqueue_indirect_dma source(%dma_start3A_140 : memref<128x128xf32, #tpu.memory_space<vmem>>) target(%dma_start3A_146 : memref<10000x128xf32, #tpu.memory_space<vmem_shared>>) offsets(%dma_start3A_143 : memref<128xi32, #tpu.memory_space<vmem>>) semaphore(%run_scoped3A_136 : memref<!tpu.dma_semaphore, #tpu.memory_space<semaphore_mem>>) {add = true}
        %dma_wait3A_147 = arith.constant 0 : i32
        %dma_wait3A_148 = arith.constant 0 : i32
        %dma_wait3A_149 = tpu.memref_slice %arg9[%run_scoped3A_134, %dma_wait3A_147, %dma_wait3A_148] : memref<1x128x128xf32, #tpu.memory_space<vmem>> -> memref<1x128x128xf32, #tpu.memory_space<vmem>>
        %dma_wait3A_150 = tpu.memref_squeeze %dma_wait3A_149 : memref<1x128x128xf32, #tpu.memory_space<vmem>> -> memref<128x128xf32, #tpu.memory_space<vmem>>
        %dma_wait3A_151 = arith.constant 0 : i32
        %dma_wait3A_152 = tpu.memref_slice %arg8[%run_scoped3A_135, %dma_wait3A_151] : memref<1x128xi32, #tpu.memory_space<vmem>> -> memref<1x128xi32, #tpu.memory_space<vmem>>
        %dma_wait3A_153 = tpu.memref_squeeze %dma_wait3A_152 : memref<1x128xi32, #tpu.memory_space<vmem>> -> memref<128xi32, #tpu.memory_space<vmem>>
        %dma_wait3A_154 = arith.constant 0 : i32
        %dma_wait3A_155 = arith.constant 0 : i32
        %dma_wait3A_156 = tpu.memref_slice %arg11[%dma_wait3A_154, %dma_wait3A_155] : memref<10000x128xf32, #tpu.memory_space<vmem_shared>> -> memref<10000x128xf32, #tpu.memory_space<vmem_shared>>
        tpu.wait_indirect_dma semaphore(%run_scoped3A_136 : memref<!tpu.dma_semaphore, #tpu.memory_space<semaphore_mem>>) src(%dma_wait3A_150 : memref<128x128xf32, #tpu.memory_space<vmem>>) dst(%dma_wait3A_156 : memref<10000x128xf32, #tpu.memory_space<vmem_shared>>)
        tpu.yield
      }) : () -> ()
    }
    %scan3A_33 = arith.constant 78 : i32
    %add3A_34 = arith.constant 9984 : i32
    %add3A_35 = arith.addi %mul3A_2, %add3A_34 : i32
    %run_scoped3A = arith.constant 0 : i32
    "tpu.region"() ({
      %run_scoped3A_104 = tpu.sem_alloc : memref<!tpu.dma_semaphore, #tpu.memory_space<semaphore_mem>>
      %dma_start3A_105 = arith.constant 0 : i32
      %dma_start3A_106 = tpu.memref_slice %arg13[%run_scoped3A, %dma_start3A_105] : memref<1x16xi32, #tpu.memory_space<vmem>> -> memref<1x16xi32, #tpu.memory_space<vmem>>
      %dma_start3A_107 = tpu.memref_squeeze %dma_start3A_106 : memref<1x16xi32, #tpu.memory_space<vmem>> -> memref<16xi32, #tpu.memory_space<vmem>>
      %dma_start3A_108 = tpu.memref_slice %arg3[%add3A_35] : memref<320000xi32, #tpu.memory_space<hbm>> -> memref<16xi32, #tpu.memory_space<hbm>>
      %dma_start3A_109 = arith.constant 0 : i32
      %dma_start3A_110 = tpu.memref_slice %arg13[%run_scoped3A, %dma_start3A_109] : memref<1x16xi32, #tpu.memory_space<vmem>> -> memref<1x16xi32, #tpu.memory_space<vmem>>
      %dma_start3A_111 = tpu.memref_squeeze %dma_start3A_110 : memref<1x16xi32, #tpu.memory_space<vmem>> -> memref<16xi32, #tpu.memory_space<vmem>>
      %dma_start3A_112 = tpu.memref_slice %arg3[%add3A_35] : memref<320000xi32, #tpu.memory_space<hbm>> -> memref<16xi32, #tpu.memory_space<hbm>>
      tpu.enqueue_dma source(%dma_start3A_112 : memref<16xi32, #tpu.memory_space<hbm>>) target(%dma_start3A_111 : memref<16xi32, #tpu.memory_space<vmem>>) target_semaphore(%run_scoped3A_104 : memref<!tpu.dma_semaphore, #tpu.memory_space<semaphore_mem>>)
      %dma_wait3A_113 = arith.constant 0 : i32
      %dma_wait3A_114 = tpu.memref_slice %arg13[%run_scoped3A, %dma_wait3A_113] : memref<1x16xi32, #tpu.memory_space<vmem>> -> memref<1x16xi32, #tpu.memory_space<vmem>>
      %dma_wait3A_115 = tpu.memref_squeeze %dma_wait3A_114 : memref<1x16xi32, #tpu.memory_space<vmem>> -> memref<16xi32, #tpu.memory_space<vmem>>
      %dma_wait3A_116 = tpu.memref_slice %arg3[%add3A_35] : memref<320000xi32, #tpu.memory_space<hbm>> -> memref<16xi32, #tpu.memory_space<hbm>>
      %dma_wait3A_117 = arith.constant 0 : i32
      %dma_wait3A_118 = tpu.memref_slice %arg13[%run_scoped3A, %dma_wait3A_117] : memref<1x16xi32, #tpu.memory_space<vmem>> -> memref<1x16xi32, #tpu.memory_space<vmem>>
      %dma_wait3A_119 = tpu.memref_squeeze %dma_wait3A_118 : memref<1x16xi32, #tpu.memory_space<vmem>> -> memref<16xi32, #tpu.memory_space<vmem>>
      %dma_wait3A_120 = tpu.memref_slice %arg3[%add3A_35] : memref<320000xi32, #tpu.memory_space<hbm>> -> memref<16xi32, #tpu.memory_space<hbm>>
      tpu.wait_dma2 semaphore(%run_scoped3A_104 : memref<!tpu.dma_semaphore, #tpu.memory_space<semaphore_mem>>) src(%dma_wait3A_120 : memref<16xi32, #tpu.memory_space<hbm>>) dst(%dma_wait3A_119 : memref<16xi32, #tpu.memory_space<vmem>>)
      tpu.yield
    }) : () -> ()
    %run_scoped3A_36 = arith.constant 0 : i32
    "tpu.region"() ({
      %run_scoped3A_104 = tpu.sem_alloc : memref<!tpu.dma_semaphore, #tpu.memory_space<semaphore_mem>>
      %dma_start3A_105 = arith.constant 0 : i32
      %dma_start3A_106 = tpu.memref_slice %arg14[%run_scoped3A_36, %dma_start3A_105] : memref<1x16xi32, #tpu.memory_space<vmem>> -> memref<1x16xi32, #tpu.memory_space<vmem>>
      %dma_start3A_107 = tpu.memref_squeeze %dma_start3A_106 : memref<1x16xi32, #tpu.memory_space<vmem>> -> memref<16xi32, #tpu.memory_space<vmem>>
      %dma_start3A_108 = tpu.memref_slice %arg4[%add3A_35] : memref<320000xi32, #tpu.memory_space<hbm>> -> memref<16xi32, #tpu.memory_space<hbm>>
      %dma_start3A_109 = arith.constant 0 : i32
      %dma_start3A_110 = tpu.memref_slice %arg14[%run_scoped3A_36, %dma_start3A_109] : memref<1x16xi32, #tpu.memory_space<vmem>> -> memref<1x16xi32, #tpu.memory_space<vmem>>
      %dma_start3A_111 = tpu.memref_squeeze %dma_start3A_110 : memref<1x16xi32, #tpu.memory_space<vmem>> -> memref<16xi32, #tpu.memory_space<vmem>>
      %dma_start3A_112 = tpu.memref_slice %arg4[%add3A_35] : memref<320000xi32, #tpu.memory_space<hbm>> -> memref<16xi32, #tpu.memory_space<hbm>>
      tpu.enqueue_dma source(%dma_start3A_112 : memref<16xi32, #tpu.memory_space<hbm>>) target(%dma_start3A_111 : memref<16xi32, #tpu.memory_space<vmem>>) target_semaphore(%run_scoped3A_104 : memref<!tpu.dma_semaphore, #tpu.memory_space<semaphore_mem>>)
      %dma_wait3A_113 = arith.constant 0 : i32
      %dma_wait3A_114 = tpu.memref_slice %arg14[%run_scoped3A_36, %dma_wait3A_113] : memref<1x16xi32, #tpu.memory_space<vmem>> -> memref<1x16xi32, #tpu.memory_space<vmem>>
      %dma_wait3A_115 = tpu.memref_squeeze %dma_wait3A_114 : memref<1x16xi32, #tpu.memory_space<vmem>> -> memref<16xi32, #tpu.memory_space<vmem>>
      %dma_wait3A_116 = tpu.memref_slice %arg4[%add3A_35] : memref<320000xi32, #tpu.memory_space<hbm>> -> memref<16xi32, #tpu.memory_space<hbm>>
      %dma_wait3A_117 = arith.constant 0 : i32
      %dma_wait3A_118 = tpu.memref_slice %arg14[%run_scoped3A_36, %dma_wait3A_117] : memref<1x16xi32, #tpu.memory_space<vmem>> -> memref<1x16xi32, #tpu.memory_space<vmem>>
      %dma_wait3A_119 = tpu.memref_squeeze %dma_wait3A_118 : memref<1x16xi32, #tpu.memory_space<vmem>> -> memref<16xi32, #tpu.memory_space<vmem>>
      %dma_wait3A_120 = tpu.memref_slice %arg4[%add3A_35] : memref<320000xi32, #tpu.memory_space<hbm>> -> memref<16xi32, #tpu.memory_space<hbm>>
      tpu.wait_dma2 semaphore(%run_scoped3A_104 : memref<!tpu.dma_semaphore, #tpu.memory_space<semaphore_mem>>) src(%dma_wait3A_120 : memref<16xi32, #tpu.memory_space<hbm>>) dst(%dma_wait3A_119 : memref<16xi32, #tpu.memory_space<vmem>>)
      tpu.yield
    }) : () -> ()
    %dma_start3A = arith.constant 0 : i32
    %dma_start3A_37 = arith.constant 0 : i32
    %dma_start3A_38 = tpu.memref_slice %arg13[%dma_start3A, %dma_start3A_37] : memref<1x16xi32, #tpu.memory_space<vmem>> -> memref<1x16xi32, #tpu.memory_space<vmem>>
    %dma_start3A_39 = tpu.memref_squeeze %dma_start3A_38 : memref<1x16xi32, #tpu.memory_space<vmem>> -> memref<16xi32, #tpu.memory_space<vmem>>
    %dma_start3A_40 = arith.constant 0 : i32
    %dma_start3A_41 = arith.constant 0 : i32
    %dma_start3A_42 = tpu.memref_slice %arg2[%dma_start3A_40, %dma_start3A_41] : memref<10000x128xf32, #tpu.memory_space<hbm>> -> memref<10000x128xf32, #tpu.memory_space<hbm>>
    tpu.enqueue_indirect_dma source(%dma_start3A_42 : memref<10000x128xf32, #tpu.memory_space<hbm>>) target(%arg15 : memref<16x128xf32, #tpu.memory_space<vmem>>) offsets(%dma_start3A_39 : memref<16xi32, #tpu.memory_space<vmem>>) semaphore(%arg12 : memref<!tpu.dma_semaphore, #tpu.memory_space<semaphore_mem>>)
    %dma_wait3A = arith.constant 0 : i32
    %dma_wait3A_43 = arith.constant 0 : i32
    %dma_wait3A_44 = tpu.memref_slice %arg13[%dma_wait3A, %dma_wait3A_43] : memref<1x16xi32, #tpu.memory_space<vmem>> -> memref<1x16xi32, #tpu.memory_space<vmem>>
    %dma_wait3A_45 = tpu.memref_squeeze %dma_wait3A_44 : memref<1x16xi32, #tpu.memory_space<vmem>> -> memref<16xi32, #tpu.memory_space<vmem>>
    %dma_wait3A_46 = arith.constant 0 : i32
    %dma_wait3A_47 = arith.constant 0 : i32
    %dma_wait3A_48 = tpu.memref_slice %arg2[%dma_wait3A_46, %dma_wait3A_47] : memref<10000x128xf32, #tpu.memory_space<hbm>> -> memref<10000x128xf32, #tpu.memory_space<hbm>>
    tpu.wait_indirect_dma semaphore(%arg12 : memref<!tpu.dma_semaphore, #tpu.memory_space<semaphore_mem>>) src(%dma_wait3A_48 : memref<10000x128xf32, #tpu.memory_space<hbm>>) dst(%arg15 : memref<16x128xf32, #tpu.memory_space<vmem>>)
    %run_scoped3A_49 = arith.constant 0 : i32
    "tpu.region"() ({
      %run_scoped3A_104 = tpu.sem_alloc : memref<!tpu.dma_semaphore, #tpu.memory_space<semaphore_mem>>
      %dma_start3A_105 = arith.constant 0 : i32
      %dma_start3A_106 = tpu.memref_slice %arg14[%run_scoped3A_49, %dma_start3A_105] : memref<1x16xi32, #tpu.memory_space<vmem>> -> memref<1x16xi32, #tpu.memory_space<vmem>>
      %dma_start3A_107 = tpu.memref_squeeze %dma_start3A_106 : memref<1x16xi32, #tpu.memory_space<vmem>> -> memref<16xi32, #tpu.memory_space<vmem>>
      %dma_start3A_108 = arith.constant 0 : i32
      %dma_start3A_109 = arith.constant 0 : i32
      %dma_start3A_110 = tpu.memref_slice %arg11[%dma_start3A_108, %dma_start3A_109] : memref<10000x128xf32, #tpu.memory_space<vmem_shared>> -> memref<10000x128xf32, #tpu.memory_space<vmem_shared>>
      tpu.enqueue_indirect_dma source(%arg15 : memref<16x128xf32, #tpu.memory_space<vmem>>) target(%dma_start3A_110 : memref<10000x128xf32, #tpu.memory_space<vmem_shared>>) offsets(%dma_start3A_107 : memref<16xi32, #tpu.memory_space<vmem>>) semaphore(%run_scoped3A_104 : memref<!tpu.dma_semaphore, #tpu.memory_space<semaphore_mem>>) {add = true}
      %dma_wait3A_111 = arith.constant 0 : i32
      %dma_wait3A_112 = tpu.memref_slice %arg14[%run_scoped3A_49, %dma_wait3A_111] : memref<1x16xi32, #tpu.memory_space<vmem>> -> memref<1x16xi32, #tpu.memory_space<vmem>>
      %dma_wait3A_113 = tpu.memref_squeeze %dma_wait3A_112 : memref<1x16xi32, #tpu.memory_space<vmem>> -> memref<16xi32, #tpu.memory_space<vmem>>
      %dma_wait3A_114 = arith.constant 0 : i32
      %dma_wait3A_115 = arith.constant 0 : i32
      %dma_wait3A_116 = tpu.memref_slice %arg11[%dma_wait3A_114, %dma_wait3A_115] : memref<10000x128xf32, #tpu.memory_space<vmem_shared>> -> memref<10000x128xf32, #tpu.memory_space<vmem_shared>>
      tpu.wait_indirect_dma semaphore(%run_scoped3A_104 : memref<!tpu.dma_semaphore, #tpu.memory_space<semaphore_mem>>) src(%arg15 : memref<16x128xf32, #tpu.memory_space<vmem>>) dst(%dma_wait3A_116 : memref<10000x128xf32, #tpu.memory_space<vmem_shared>>)
      tpu.yield
    }) : () -> ()
    %barrier3A_50 = arith.constant 0 : index
    tpu.barrier barrier_id(%barrier3A_50)
    %mul3A_51 = arith.constant 624 : i32
    %mul3A_52 = arith.muli %arg1, %mul3A_51 : i32
    %add3A_53 = arith.constant 0 : i32
    %add3A_54 = arith.addi %mul3A_52, %add3A_53 : i32
    "tpu.region"() ({
      %run_scoped3A_104 = tpu.sem_alloc : memref<!tpu.dma_semaphore, #tpu.memory_space<semaphore_mem>>
      %dma_start3A_105 = arith.constant 0 : i32
      %dma_start3A_106 = tpu.memref_slice %arg11[%add3A_54, %dma_start3A_105] : memref<10000x128xf32, #tpu.memory_space<vmem_shared>> -> memref<104x128xf32, #tpu.memory_space<vmem_shared>>
      %dma_start3A_107 = arith.constant 0 : i32
      %dma_start3A_108 = tpu.memref_slice %arg11[%add3A_54, %dma_start3A_107] : memref<10000x128xf32, #tpu.memory_space<vmem_shared>> -> memref<104x128xf32, #tpu.memory_space<vmem_shared>>
      tpu.enqueue_dma source(%dma_start3A_108 : memref<104x128xf32, #tpu.memory_space<vmem_shared>>) target(%arg10 : memref<104x128xf32, #tpu.memory_space<vmem>>) target_semaphore(%run_scoped3A_104 : memref<!tpu.dma_semaphore, #tpu.memory_space<semaphore_mem>>)
      %dma_wait3A_109 = arith.constant 0 : i32
      %dma_wait3A_110 = tpu.memref_slice %arg11[%add3A_54, %dma_wait3A_109] : memref<10000x128xf32, #tpu.memory_space<vmem_shared>> -> memref<104x128xf32, #tpu.memory_space<vmem_shared>>
      %dma_wait3A_111 = arith.constant 0 : i32
      %dma_wait3A_112 = tpu.memref_slice %arg11[%add3A_54, %dma_wait3A_111] : memref<10000x128xf32, #tpu.memory_space<vmem_shared>> -> memref<104x128xf32, #tpu.memory_space<vmem_shared>>
      tpu.wait_dma2 semaphore(%run_scoped3A_104 : memref<!tpu.dma_semaphore, #tpu.memory_space<semaphore_mem>>) src(%dma_wait3A_112 : memref<104x128xf32, #tpu.memory_space<vmem_shared>>) dst(%arg10 : memref<104x128xf32, #tpu.memory_space<vmem>>)
      tpu.yield
    }) : () -> ()
    %mul3A_55 = arith.constant 624 : i32
    %mul3A_56 = arith.muli %arg1, %mul3A_55 : i32
    %add3A_57 = arith.constant 0 : i32
    %add3A_58 = arith.addi %mul3A_56, %add3A_57 : i32
    "tpu.region"() ({
      %run_scoped3A_104 = tpu.sem_alloc : memref<!tpu.dma_semaphore, #tpu.memory_space<semaphore_mem>>
      %dma_start3A_105 = arith.constant 0 : i32
      %dma_start3A_106 = tpu.memref_slice %arg6[%arg0, %add3A_58, %dma_start3A_105] : memref<2x10000x128xf32, #tpu.memory_space<hbm>> -> memref<1x104x128xf32, #tpu.memory_space<hbm>>
      %dma_start3A_107 = tpu.memref_squeeze %dma_start3A_106 : memref<1x104x128xf32, #tpu.memory_space<hbm>> -> memref<104x128xf32, #tpu.memory_space<hbm>>
      %dma_start3A_108 = arith.constant 0 : i32
      %dma_start3A_109 = tpu.memref_slice %arg6[%arg0, %add3A_58, %dma_start3A_108] : memref<2x10000x128xf32, #tpu.memory_space<hbm>> -> memref<1x104x128xf32, #tpu.memory_space<hbm>>
      %dma_start3A_110 = tpu.memref_squeeze %dma_start3A_109 : memref<1x104x128xf32, #tpu.memory_space<hbm>> -> memref<104x128xf32, #tpu.memory_space<hbm>>
      tpu.enqueue_dma source(%arg10 : memref<104x128xf32, #tpu.memory_space<vmem>>) target(%dma_start3A_110 : memref<104x128xf32, #tpu.memory_space<hbm>>) target_semaphore(%run_scoped3A_104 : memref<!tpu.dma_semaphore, #tpu.memory_space<semaphore_mem>>)
      %dma_wait3A_111 = arith.constant 0 : i32
      %dma_wait3A_112 = tpu.memref_slice %arg6[%arg0, %add3A_58, %dma_wait3A_111] : memref<2x10000x128xf32, #tpu.memory_space<hbm>> -> memref<1x104x128xf32, #tpu.memory_space<hbm>>
      %dma_wait3A_113 = tpu.memref_squeeze %dma_wait3A_112 : memref<1x104x128xf32, #tpu.memory_space<hbm>> -> memref<104x128xf32, #tpu.memory_space<hbm>>
      %dma_wait3A_114 = arith.constant 0 : i32
      %dma_wait3A_115 = tpu.memref_slice %arg6[%arg0, %add3A_58, %dma_wait3A_114] : memref<2x10000x128xf32, #tpu.memory_space<hbm>> -> memref<1x104x128xf32, #tpu.memory_space<hbm>>
      %dma_wait3A_116 = tpu.memref_squeeze %dma_wait3A_115 : memref<1x104x128xf32, #tpu.memory_space<hbm>> -> memref<104x128xf32, #tpu.memory_space<hbm>>
      tpu.wait_dma2 semaphore(%run_scoped3A_104 : memref<!tpu.dma_semaphore, #tpu.memory_space<semaphore_mem>>) src(%arg10 : memref<104x128xf32, #tpu.memory_space<vmem>>) dst(%dma_wait3A_116 : memref<104x128xf32, #tpu.memory_space<hbm>>)
      tpu.yield
    }) : () -> ()
    %mul3A_59 = arith.constant 624 : i32
    %mul3A_60 = arith.muli %arg1, %mul3A_59 : i32
    %add3A_61 = arith.constant 104 : i32
    %add3A_62 = arith.addi %mul3A_60, %add3A_61 : i32
    "tpu.region"() ({
      %run_scoped3A_104 = tpu.sem_alloc : memref<!tpu.dma_semaphore, #tpu.memory_space<semaphore_mem>>
      %dma_start3A_105 = arith.constant 0 : i32
      %dma_start3A_106 = tpu.memref_slice %arg11[%add3A_62, %dma_start3A_105] : memref<10000x128xf32, #tpu.memory_space<vmem_shared>> -> memref<104x128xf32, #tpu.memory_space<vmem_shared>>
      %dma_start3A_107 = arith.constant 0 : i32
      %dma_start3A_108 = tpu.memref_slice %arg11[%add3A_62, %dma_start3A_107] : memref<10000x128xf32, #tpu.memory_space<vmem_shared>> -> memref<104x128xf32, #tpu.memory_space<vmem_shared>>
      tpu.enqueue_dma source(%dma_start3A_108 : memref<104x128xf32, #tpu.memory_space<vmem_shared>>) target(%arg10 : memref<104x128xf32, #tpu.memory_space<vmem>>) target_semaphore(%run_scoped3A_104 : memref<!tpu.dma_semaphore, #tpu.memory_space<semaphore_mem>>)
      %dma_wait3A_109 = arith.constant 0 : i32
      %dma_wait3A_110 = tpu.memref_slice %arg11[%add3A_62, %dma_wait3A_109] : memref<10000x128xf32, #tpu.memory_space<vmem_shared>> -> memref<104x128xf32, #tpu.memory_space<vmem_shared>>
      %dma_wait3A_111 = arith.constant 0 : i32
      %dma_wait3A_112 = tpu.memref_slice %arg11[%add3A_62, %dma_wait3A_111] : memref<10000x128xf32, #tpu.memory_space<vmem_shared>> -> memref<104x128xf32, #tpu.memory_space<vmem_shared>>
      tpu.wait_dma2 semaphore(%run_scoped3A_104 : memref<!tpu.dma_semaphore, #tpu.memory_space<semaphore_mem>>) src(%dma_wait3A_112 : memref<104x128xf32, #tpu.memory_space<vmem_shared>>) dst(%arg10 : memref<104x128xf32, #tpu.memory_space<vmem>>)
      tpu.yield
    }) : () -> ()
    %mul3A_63 = arith.constant 624 : i32
    %mul3A_64 = arith.muli %arg1, %mul3A_63 : i32
    %add3A_65 = arith.constant 104 : i32
    %add3A_66 = arith.addi %mul3A_64, %add3A_65 : i32
    "tpu.region"() ({
      %run_scoped3A_104 = tpu.sem_alloc : memref<!tpu.dma_semaphore, #tpu.memory_space<semaphore_mem>>
      %dma_start3A_105 = arith.constant 0 : i32
      %dma_start3A_106 = tpu.memref_slice %arg6[%arg0, %add3A_66, %dma_start3A_105] : memref<2x10000x128xf32, #tpu.memory_space<hbm>> -> memref<1x104x128xf32, #tpu.memory_space<hbm>>
      %dma_start3A_107 = tpu.memref_squeeze %dma_start3A_106 : memref<1x104x128xf32, #tpu.memory_space<hbm>> -> memref<104x128xf32, #tpu.memory_space<hbm>>
      %dma_start3A_108 = arith.constant 0 : i32
      %dma_start3A_109 = tpu.memref_slice %arg6[%arg0, %add3A_66, %dma_start3A_108] : memref<2x10000x128xf32, #tpu.memory_space<hbm>> -> memref<1x104x128xf32, #tpu.memory_space<hbm>>
      %dma_start3A_110 = tpu.memref_squeeze %dma_start3A_109 : memref<1x104x128xf32, #tpu.memory_space<hbm>> -> memref<104x128xf32, #tpu.memory_space<hbm>>
      tpu.enqueue_dma source(%arg10 : memref<104x128xf32, #tpu.memory_space<vmem>>) target(%dma_start3A_110 : memref<104x128xf32, #tpu.memory_space<hbm>>) target_semaphore(%run_scoped3A_104 : memref<!tpu.dma_semaphore, #tpu.memory_space<semaphore_mem>>)
      %dma_wait3A_111 = arith.constant 0 : i32
      %dma_wait3A_112 = tpu.memref_slice %arg6[%arg0, %add3A_66, %dma_wait3A_111] : memref<2x10000x128xf32, #tpu.memory_space<hbm>> -> memref<1x104x128xf32, #tpu.memory_space<hbm>>
      %dma_wait3A_113 = tpu.memref_squeeze %dma_wait3A_112 : memref<1x104x128xf32, #tpu.memory_space<hbm>> -> memref<104x128xf32, #tpu.memory_space<hbm>>
      %dma_wait3A_114 = arith.constant 0 : i32
      %dma_wait3A_115 = tpu.memref_slice %arg6[%arg0, %add3A_66, %dma_wait3A_114] : memref<2x10000x128xf32, #tpu.memory_space<hbm>> -> memref<1x104x128xf32, #tpu.memory_space<hbm>>
      %dma_wait3A_116 = tpu.memref_squeeze %dma_wait3A_115 : memref<1x104x128xf32, #tpu.memory_space<hbm>> -> memref<104x128xf32, #tpu.memory_space<hbm>>
      tpu.wait_dma2 semaphore(%run_scoped3A_104 : memref<!tpu.dma_semaphore, #tpu.memory_space<semaphore_mem>>) src(%arg10 : memref<104x128xf32, #tpu.memory_space<vmem>>) dst(%dma_wait3A_116 : memref<104x128xf32, #tpu.memory_space<hbm>>)
      tpu.yield
    }) : () -> ()
    %mul3A_67 = arith.constant 624 : i32
    %mul3A_68 = arith.muli %arg1, %mul3A_67 : i32
    %add3A_69 = arith.constant 208 : i32
    %add3A_70 = arith.addi %mul3A_68, %add3A_69 : i32
    "tpu.region"() ({
      %run_scoped3A_104 = tpu.sem_alloc : memref<!tpu.dma_semaphore, #tpu.memory_space<semaphore_mem>>
      %dma_start3A_105 = arith.constant 0 : i32
      %dma_start3A_106 = tpu.memref_slice %arg11[%add3A_70, %dma_start3A_105] : memref<10000x128xf32, #tpu.memory_space<vmem_shared>> -> memref<104x128xf32, #tpu.memory_space<vmem_shared>>
      %dma_start3A_107 = arith.constant 0 : i32
      %dma_start3A_108 = tpu.memref_slice %arg11[%add3A_70, %dma_start3A_107] : memref<10000x128xf32, #tpu.memory_space<vmem_shared>> -> memref<104x128xf32, #tpu.memory_space<vmem_shared>>
      tpu.enqueue_dma source(%dma_start3A_108 : memref<104x128xf32, #tpu.memory_space<vmem_shared>>) target(%arg10 : memref<104x128xf32, #tpu.memory_space<vmem>>) target_semaphore(%run_scoped3A_104 : memref<!tpu.dma_semaphore, #tpu.memory_space<semaphore_mem>>)
      %dma_wait3A_109 = arith.constant 0 : i32
      %dma_wait3A_110 = tpu.memref_slice %arg11[%add3A_70, %dma_wait3A_109] : memref<10000x128xf32, #tpu.memory_space<vmem_shared>> -> memref<104x128xf32, #tpu.memory_space<vmem_shared>>
      %dma_wait3A_111 = arith.constant 0 : i32
      %dma_wait3A_112 = tpu.memref_slice %arg11[%add3A_70, %dma_wait3A_111] : memref<10000x128xf32, #tpu.memory_space<vmem_shared>> -> memref<104x128xf32, #tpu.memory_space<vmem_shared>>
      tpu.wait_dma2 semaphore(%run_scoped3A_104 : memref<!tpu.dma_semaphore, #tpu.memory_space<semaphore_mem>>) src(%dma_wait3A_112 : memref<104x128xf32, #tpu.memory_space<vmem_shared>>) dst(%arg10 : memref<104x128xf32, #tpu.memory_space<vmem>>)
      tpu.yield
    }) : () -> ()
    %mul3A_71 = arith.constant 624 : i32
    %mul3A_72 = arith.muli %arg1, %mul3A_71 : i32
    %add3A_73 = arith.constant 208 : i32
    %add3A_74 = arith.addi %mul3A_72, %add3A_73 : i32
    "tpu.region"() ({
      %run_scoped3A_104 = tpu.sem_alloc : memref<!tpu.dma_semaphore, #tpu.memory_space<semaphore_mem>>
      %dma_start3A_105 = arith.constant 0 : i32
      %dma_start3A_106 = tpu.memref_slice %arg6[%arg0, %add3A_74, %dma_start3A_105] : memref<2x10000x128xf32, #tpu.memory_space<hbm>> -> memref<1x104x128xf32, #tpu.memory_space<hbm>>
      %dma_start3A_107 = tpu.memref_squeeze %dma_start3A_106 : memref<1x104x128xf32, #tpu.memory_space<hbm>> -> memref<104x128xf32, #tpu.memory_space<hbm>>
      %dma_start3A_108 = arith.constant 0 : i32
      %dma_start3A_109 = tpu.memref_slice %arg6[%arg0, %add3A_74, %dma_start3A_108] : memref<2x10000x128xf32, #tpu.memory_space<hbm>> -> memref<1x104x128xf32, #tpu.memory_space<hbm>>
      %dma_start3A_110 = tpu.memref_squeeze %dma_start3A_109 : memref<1x104x128xf32, #tpu.memory_space<hbm>> -> memref<104x128xf32, #tpu.memory_space<hbm>>
      tpu.enqueue_dma source(%arg10 : memref<104x128xf32, #tpu.memory_space<vmem>>) target(%dma_start3A_110 : memref<104x128xf32, #tpu.memory_space<hbm>>) target_semaphore(%run_scoped3A_104 : memref<!tpu.dma_semaphore, #tpu.memory_space<semaphore_mem>>)
      %dma_wait3A_111 = arith.constant 0 : i32
      %dma_wait3A_112 = tpu.memref_slice %arg6[%arg0, %add3A_74, %dma_wait3A_111] : memref<2x10000x128xf32, #tpu.memory_space<hbm>> -> memref<1x104x128xf32, #tpu.memory_space<hbm>>
      %dma_wait3A_113 = tpu.memref_squeeze %dma_wait3A_112 : memref<1x104x128xf32, #tpu.memory_space<hbm>> -> memref<104x128xf32, #tpu.memory_space<hbm>>
      %dma_wait3A_114 = arith.constant 0 : i32
      %dma_wait3A_115 = tpu.memref_slice %arg6[%arg0, %add3A_74, %dma_wait3A_114] : memref<2x10000x128xf32, #tpu.memory_space<hbm>> -> memref<1x104x128xf32, #tpu.memory_space<hbm>>
      %dma_wait3A_116 = tpu.memref_squeeze %dma_wait3A_115 : memref<1x104x128xf32, #tpu.memory_space<hbm>> -> memref<104x128xf32, #tpu.memory_space<hbm>>
      tpu.wait_dma2 semaphore(%run_scoped3A_104 : memref<!tpu.dma_semaphore, #tpu.memory_space<semaphore_mem>>) src(%arg10 : memref<104x128xf32, #tpu.memory_space<vmem>>) dst(%dma_wait3A_116 : memref<104x128xf32, #tpu.memory_space<hbm>>)
      tpu.yield
    }) : () -> ()
    %mul3A_75 = arith.constant 624 : i32
    %mul3A_76 = arith.muli %arg1, %mul3A_75 : i32
    %add3A_77 = arith.constant 312 : i32
    %add3A_78 = arith.addi %mul3A_76, %add3A_77 : i32
    "tpu.region"() ({
      %run_scoped3A_104 = tpu.sem_alloc : memref<!tpu.dma_semaphore, #tpu.memory_space<semaphore_mem>>
      %dma_start3A_105 = arith.constant 0 : i32
      %dma_start3A_106 = tpu.memref_slice %arg11[%add3A_78, %dma_start3A_105] : memref<10000x128xf32, #tpu.memory_space<vmem_shared>> -> memref<104x128xf32, #tpu.memory_space<vmem_shared>>
      %dma_start3A_107 = arith.constant 0 : i32
      %dma_start3A_108 = tpu.memref_slice %arg11[%add3A_78, %dma_start3A_107] : memref<10000x128xf32, #tpu.memory_space<vmem_shared>> -> memref<104x128xf32, #tpu.memory_space<vmem_shared>>
      tpu.enqueue_dma source(%dma_start3A_108 : memref<104x128xf32, #tpu.memory_space<vmem_shared>>) target(%arg10 : memref<104x128xf32, #tpu.memory_space<vmem>>) target_semaphore(%run_scoped3A_104 : memref<!tpu.dma_semaphore, #tpu.memory_space<semaphore_mem>>)
      %dma_wait3A_109 = arith.constant 0 : i32
      %dma_wait3A_110 = tpu.memref_slice %arg11[%add3A_78, %dma_wait3A_109] : memref<10000x128xf32, #tpu.memory_space<vmem_shared>> -> memref<104x128xf32, #tpu.memory_space<vmem_shared>>
      %dma_wait3A_111 = arith.constant 0 : i32
      %dma_wait3A_112 = tpu.memref_slice %arg11[%add3A_78, %dma_wait3A_111] : memref<10000x128xf32, #tpu.memory_space<vmem_shared>> -> memref<104x128xf32, #tpu.memory_space<vmem_shared>>
      tpu.wait_dma2 semaphore(%run_scoped3A_104 : memref<!tpu.dma_semaphore, #tpu.memory_space<semaphore_mem>>) src(%dma_wait3A_112 : memref<104x128xf32, #tpu.memory_space<vmem_shared>>) dst(%arg10 : memref<104x128xf32, #tpu.memory_space<vmem>>)
      tpu.yield
    }) : () -> ()
    %mul3A_79 = arith.constant 624 : i32
    %mul3A_80 = arith.muli %arg1, %mul3A_79 : i32
    %add3A_81 = arith.constant 312 : i32
    %add3A_82 = arith.addi %mul3A_80, %add3A_81 : i32
    "tpu.region"() ({
      %run_scoped3A_104 = tpu.sem_alloc : memref<!tpu.dma_semaphore, #tpu.memory_space<semaphore_mem>>
      %dma_start3A_105 = arith.constant 0 : i32
      %dma_start3A_106 = tpu.memref_slice %arg6[%arg0, %add3A_82, %dma_start3A_105] : memref<2x10000x128xf32, #tpu.memory_space<hbm>> -> memref<1x104x128xf32, #tpu.memory_space<hbm>>
      %dma_start3A_107 = tpu.memref_squeeze %dma_start3A_106 : memref<1x104x128xf32, #tpu.memory_space<hbm>> -> memref<104x128xf32, #tpu.memory_space<hbm>>
      %dma_start3A_108 = arith.constant 0 : i32
      %dma_start3A_109 = tpu.memref_slice %arg6[%arg0, %add3A_82, %dma_start3A_108] : memref<2x10000x128xf32, #tpu.memory_space<hbm>> -> memref<1x104x128xf32, #tpu.memory_space<hbm>>
      %dma_start3A_110 = tpu.memref_squeeze %dma_start3A_109 : memref<1x104x128xf32, #tpu.memory_space<hbm>> -> memref<104x128xf32, #tpu.memory_space<hbm>>
      tpu.enqueue_dma source(%arg10 : memref<104x128xf32, #tpu.memory_space<vmem>>) target(%dma_start3A_110 : memref<104x128xf32, #tpu.memory_space<hbm>>) target_semaphore(%run_scoped3A_104 : memref<!tpu.dma_semaphore, #tpu.memory_space<semaphore_mem>>)
      %dma_wait3A_111 = arith.constant 0 : i32
      %dma_wait3A_112 = tpu.memref_slice %arg6[%arg0, %add3A_82, %dma_wait3A_111] : memref<2x10000x128xf32, #tpu.memory_space<hbm>> -> memref<1x104x128xf32, #tpu.memory_space<hbm>>
      %dma_wait3A_113 = tpu.memref_squeeze %dma_wait3A_112 : memref<1x104x128xf32, #tpu.memory_space<hbm>> -> memref<104x128xf32, #tpu.memory_space<hbm>>
      %dma_wait3A_114 = arith.constant 0 : i32
      %dma_wait3A_115 = tpu.memref_slice %arg6[%arg0, %add3A_82, %dma_wait3A_114] : memref<2x10000x128xf32, #tpu.memory_space<hbm>> -> memref<1x104x128xf32, #tpu.memory_space<hbm>>
      %dma_wait3A_116 = tpu.memref_squeeze %dma_wait3A_115 : memref<1x104x128xf32, #tpu.memory_space<hbm>> -> memref<104x128xf32, #tpu.memory_space<hbm>>
      tpu.wait_dma2 semaphore(%run_scoped3A_104 : memref<!tpu.dma_semaphore, #tpu.memory_space<semaphore_mem>>) src(%arg10 : memref<104x128xf32, #tpu.memory_space<vmem>>) dst(%dma_wait3A_116 : memref<104x128xf32, #tpu.memory_space<hbm>>)
      tpu.yield
    }) : () -> ()
    %mul3A_83 = arith.constant 624 : i32
    %mul3A_84 = arith.muli %arg1, %mul3A_83 : i32
    %add3A_85 = arith.constant 416 : i32
    %add3A_86 = arith.addi %mul3A_84, %add3A_85 : i32
    "tpu.region"() ({
      %run_scoped3A_104 = tpu.sem_alloc : memref<!tpu.dma_semaphore, #tpu.memory_space<semaphore_mem>>
      %dma_start3A_105 = arith.constant 0 : i32
      %dma_start3A_106 = tpu.memref_slice %arg11[%add3A_86, %dma_start3A_105] : memref<10000x128xf32, #tpu.memory_space<vmem_shared>> -> memref<104x128xf32, #tpu.memory_space<vmem_shared>>
      %dma_start3A_107 = arith.constant 0 : i32
      %dma_start3A_108 = tpu.memref_slice %arg11[%add3A_86, %dma_start3A_107] : memref<10000x128xf32, #tpu.memory_space<vmem_shared>> -> memref<104x128xf32, #tpu.memory_space<vmem_shared>>
      tpu.enqueue_dma source(%dma_start3A_108 : memref<104x128xf32, #tpu.memory_space<vmem_shared>>) target(%arg10 : memref<104x128xf32, #tpu.memory_space<vmem>>) target_semaphore(%run_scoped3A_104 : memref<!tpu.dma_semaphore, #tpu.memory_space<semaphore_mem>>)
      %dma_wait3A_109 = arith.constant 0 : i32
      %dma_wait3A_110 = tpu.memref_slice %arg11[%add3A_86, %dma_wait3A_109] : memref<10000x128xf32, #tpu.memory_space<vmem_shared>> -> memref<104x128xf32, #tpu.memory_space<vmem_shared>>
      %dma_wait3A_111 = arith.constant 0 : i32
      %dma_wait3A_112 = tpu.memref_slice %arg11[%add3A_86, %dma_wait3A_111] : memref<10000x128xf32, #tpu.memory_space<vmem_shared>> -> memref<104x128xf32, #tpu.memory_space<vmem_shared>>
      tpu.wait_dma2 semaphore(%run_scoped3A_104 : memref<!tpu.dma_semaphore, #tpu.memory_space<semaphore_mem>>) src(%dma_wait3A_112 : memref<104x128xf32, #tpu.memory_space<vmem_shared>>) dst(%arg10 : memref<104x128xf32, #tpu.memory_space<vmem>>)
      tpu.yield
    }) : () -> ()
    %mul3A_87 = arith.constant 624 : i32
    %mul3A_88 = arith.muli %arg1, %mul3A_87 : i32
    %add3A_89 = arith.constant 416 : i32
    %add3A_90 = arith.addi %mul3A_88, %add3A_89 : i32
    "tpu.region"() ({
      %run_scoped3A_104 = tpu.sem_alloc : memref<!tpu.dma_semaphore, #tpu.memory_space<semaphore_mem>>
      %dma_start3A_105 = arith.constant 0 : i32
      %dma_start3A_106 = tpu.memref_slice %arg6[%arg0, %add3A_90, %dma_start3A_105] : memref<2x10000x128xf32, #tpu.memory_space<hbm>> -> memref<1x104x128xf32, #tpu.memory_space<hbm>>
      %dma_start3A_107 = tpu.memref_squeeze %dma_start3A_106 : memref<1x104x128xf32, #tpu.memory_space<hbm>> -> memref<104x128xf32, #tpu.memory_space<hbm>>
      %dma_start3A_108 = arith.constant 0 : i32
      %dma_start3A_109 = tpu.memref_slice %arg6[%arg0, %add3A_90, %dma_start3A_108] : memref<2x10000x128xf32, #tpu.memory_space<hbm>> -> memref<1x104x128xf32, #tpu.memory_space<hbm>>
      %dma_start3A_110 = tpu.memref_squeeze %dma_start3A_109 : memref<1x104x128xf32, #tpu.memory_space<hbm>> -> memref<104x128xf32, #tpu.memory_space<hbm>>
      tpu.enqueue_dma source(%arg10 : memref<104x128xf32, #tpu.memory_space<vmem>>) target(%dma_start3A_110 : memref<104x128xf32, #tpu.memory_space<hbm>>) target_semaphore(%run_scoped3A_104 : memref<!tpu.dma_semaphore, #tpu.memory_space<semaphore_mem>>)
      %dma_wait3A_111 = arith.constant 0 : i32
      %dma_wait3A_112 = tpu.memref_slice %arg6[%arg0, %add3A_90, %dma_wait3A_111] : memref<2x10000x128xf32, #tpu.memory_space<hbm>> -> memref<1x104x128xf32, #tpu.memory_space<hbm>>
      %dma_wait3A_113 = tpu.memref_squeeze %dma_wait3A_112 : memref<1x104x128xf32, #tpu.memory_space<hbm>> -> memref<104x128xf32, #tpu.memory_space<hbm>>
      %dma_wait3A_114 = arith.constant 0 : i32
      %dma_wait3A_115 = tpu.memref_slice %arg6[%arg0, %add3A_90, %dma_wait3A_114] : memref<2x10000x128xf32, #tpu.memory_space<hbm>> -> memref<1x104x128xf32, #tpu.memory_space<hbm>>
      %dma_wait3A_116 = tpu.memref_squeeze %dma_wait3A_115 : memref<1x104x128xf32, #tpu.memory_space<hbm>> -> memref<104x128xf32, #tpu.memory_space<hbm>>
      tpu.wait_dma2 semaphore(%run_scoped3A_104 : memref<!tpu.dma_semaphore, #tpu.memory_space<semaphore_mem>>) src(%arg10 : memref<104x128xf32, #tpu.memory_space<vmem>>) dst(%dma_wait3A_116 : memref<104x128xf32, #tpu.memory_space<hbm>>)
      tpu.yield
    }) : () -> ()
    %mul3A_91 = arith.constant 624 : i32
    %mul3A_92 = arith.muli %arg1, %mul3A_91 : i32
    %add3A_93 = arith.constant 520 : i32
    %add3A_94 = arith.addi %mul3A_92, %add3A_93 : i32
    "tpu.region"() ({
      %run_scoped3A_104 = tpu.sem_alloc : memref<!tpu.dma_semaphore, #tpu.memory_space<semaphore_mem>>
      %dma_start3A_105 = arith.constant 0 : i32
      %dma_start3A_106 = tpu.memref_slice %arg11[%add3A_94, %dma_start3A_105] : memref<10000x128xf32, #tpu.memory_space<vmem_shared>> -> memref<104x128xf32, #tpu.memory_space<vmem_shared>>
      %dma_start3A_107 = arith.constant 0 : i32
      %dma_start3A_108 = tpu.memref_slice %arg11[%add3A_94, %dma_start3A_107] : memref<10000x128xf32, #tpu.memory_space<vmem_shared>> -> memref<104x128xf32, #tpu.memory_space<vmem_shared>>
      tpu.enqueue_dma source(%dma_start3A_108 : memref<104x128xf32, #tpu.memory_space<vmem_shared>>) target(%arg10 : memref<104x128xf32, #tpu.memory_space<vmem>>) target_semaphore(%run_scoped3A_104 : memref<!tpu.dma_semaphore, #tpu.memory_space<semaphore_mem>>)
      %dma_wait3A_109 = arith.constant 0 : i32
      %dma_wait3A_110 = tpu.memref_slice %arg11[%add3A_94, %dma_wait3A_109] : memref<10000x128xf32, #tpu.memory_space<vmem_shared>> -> memref<104x128xf32, #tpu.memory_space<vmem_shared>>
      %dma_wait3A_111 = arith.constant 0 : i32
      %dma_wait3A_112 = tpu.memref_slice %arg11[%add3A_94, %dma_wait3A_111] : memref<10000x128xf32, #tpu.memory_space<vmem_shared>> -> memref<104x128xf32, #tpu.memory_space<vmem_shared>>
      tpu.wait_dma2 semaphore(%run_scoped3A_104 : memref<!tpu.dma_semaphore, #tpu.memory_space<semaphore_mem>>) src(%dma_wait3A_112 : memref<104x128xf32, #tpu.memory_space<vmem_shared>>) dst(%arg10 : memref<104x128xf32, #tpu.memory_space<vmem>>)
      tpu.yield
    }) : () -> ()
    %mul3A_95 = arith.constant 624 : i32
    %mul3A_96 = arith.muli %arg1, %mul3A_95 : i32
    %add3A_97 = arith.constant 520 : i32
    %add3A_98 = arith.addi %mul3A_96, %add3A_97 : i32
    "tpu.region"() ({
      %run_scoped3A_104 = tpu.sem_alloc : memref<!tpu.dma_semaphore, #tpu.memory_space<semaphore_mem>>
      %dma_start3A_105 = arith.constant 0 : i32
      %dma_start3A_106 = tpu.memref_slice %arg6[%arg0, %add3A_98, %dma_start3A_105] : memref<2x10000x128xf32, #tpu.memory_space<hbm>> -> memref<1x104x128xf32, #tpu.memory_space<hbm>>
      %dma_start3A_107 = tpu.memref_squeeze %dma_start3A_106 : memref<1x104x128xf32, #tpu.memory_space<hbm>> -> memref<104x128xf32, #tpu.memory_space<hbm>>
      %dma_start3A_108 = arith.constant 0 : i32
      %dma_start3A_109 = tpu.memref_slice %arg6[%arg0, %add3A_98, %dma_start3A_108] : memref<2x10000x128xf32, #tpu.memory_space<hbm>> -> memref<1x104x128xf32, #tpu.memory_space<hbm>>
      %dma_start3A_110 = tpu.memref_squeeze %dma_start3A_109 : memref<1x104x128xf32, #tpu.memory_space<hbm>> -> memref<104x128xf32, #tpu.memory_space<hbm>>
      tpu.enqueue_dma source(%arg10 : memref<104x128xf32, #tpu.memory_space<vmem>>) target(%dma_start3A_110 : memref<104x128xf32, #tpu.memory_space<hbm>>) target_semaphore(%run_scoped3A_104 : memref<!tpu.dma_semaphore, #tpu.memory_space<semaphore_mem>>)
      %dma_wait3A_111 = arith.constant 0 : i32
      %dma_wait3A_112 = tpu.memref_slice %arg6[%arg0, %add3A_98, %dma_wait3A_111] : memref<2x10000x128xf32, #tpu.memory_space<hbm>> -> memref<1x104x128xf32, #tpu.memory_space<hbm>>
      %dma_wait3A_113 = tpu.memref_squeeze %dma_wait3A_112 : memref<1x104x128xf32, #tpu.memory_space<hbm>> -> memref<104x128xf32, #tpu.memory_space<hbm>>
      %dma_wait3A_114 = arith.constant 0 : i32
      %dma_wait3A_115 = tpu.memref_slice %arg6[%arg0, %add3A_98, %dma_wait3A_114] : memref<2x10000x128xf32, #tpu.memory_space<hbm>> -> memref<1x104x128xf32, #tpu.memory_space<hbm>>
      %dma_wait3A_116 = tpu.memref_squeeze %dma_wait3A_115 : memref<1x104x128xf32, #tpu.memory_space<hbm>> -> memref<104x128xf32, #tpu.memory_space<hbm>>
      tpu.wait_dma2 semaphore(%run_scoped3A_104 : memref<!tpu.dma_semaphore, #tpu.memory_space<semaphore_mem>>) src(%arg10 : memref<104x128xf32, #tpu.memory_space<vmem>>) dst(%dma_wait3A_116 : memref<104x128xf32, #tpu.memory_space<hbm>>)
      tpu.yield
    }) : () -> ()
    %eq3A_99 = arith.constant 0 : i32
    %eq3A_100 = arith.cmpi eq, %arg1, %eq3A_99 : i32
    %convert_element_type3A_101 = arith.extui %eq3A_100 : i1 to i32
    %cond3A_102 = arith.constant 0 : i32
    %cond3A_103 = arith.cmpi ne, %convert_element_type3A_101, %cond3A_102 : i32
    scf.if %cond3A_103 {
      "tpu.region"() ({
        %run_scoped3A_104 = tpu.sem_alloc : memref<!tpu.dma_semaphore, #tpu.memory_space<semaphore_mem>>
        %dma_start3A_105 = arith.constant 0 : i32
        %dma_start3A_106 = arith.constant 0 : i32
        %dma_start3A_107 = tpu.memref_slice %arg10[%dma_start3A_105, %dma_start3A_106] : memref<104x128xf32, #tpu.memory_space<vmem>> -> memref<16x128xf32, #tpu.memory_space<vmem>>
        %dma_start3A_108 = arith.constant 9984 : i32
        %dma_start3A_109 = arith.constant 0 : i32
        %dma_start3A_110 = tpu.memref_slice %arg11[%dma_start3A_108, %dma_start3A_109] : memref<10000x128xf32, #tpu.memory_space<vmem_shared>> -> memref<16x128xf32, #tpu.memory_space<vmem_shared>>
        %dma_start3A_111 = arith.constant 0 : i32
        %dma_start3A_112 = arith.constant 0 : i32
        %dma_start3A_113 = tpu.memref_slice %arg10[%dma_start3A_111, %dma_start3A_112] : memref<104x128xf32, #tpu.memory_space<vmem>> -> memref<16x128xf32, #tpu.memory_space<vmem>>
        %dma_start3A_114 = arith.constant 9984 : i32
        %dma_start3A_115 = arith.constant 0 : i32
        %dma_start3A_116 = tpu.memref_slice %arg11[%dma_start3A_114, %dma_start3A_115] : memref<10000x128xf32, #tpu.memory_space<vmem_shared>> -> memref<16x128xf32, #tpu.memory_space<vmem_shared>>
        tpu.enqueue_dma source(%dma_start3A_116 : memref<16x128xf32, #tpu.memory_space<vmem_shared>>) target(%dma_start3A_113 : memref<16x128xf32, #tpu.memory_space<vmem>>) target_semaphore(%run_scoped3A_104 : memref<!tpu.dma_semaphore, #tpu.memory_space<semaphore_mem>>)
        %dma_wait3A_117 = arith.constant 0 : i32
        %dma_wait3A_118 = arith.constant 0 : i32
        %dma_wait3A_119 = tpu.memref_slice %arg10[%dma_wait3A_117, %dma_wait3A_118] : memref<104x128xf32, #tpu.memory_space<vmem>> -> memref<16x128xf32, #tpu.memory_space<vmem>>
        %dma_wait3A_120 = arith.constant 9984 : i32
        %dma_wait3A_121 = arith.constant 0 : i32
        %dma_wait3A_122 = tpu.memref_slice %arg11[%dma_wait3A_120, %dma_wait3A_121] : memref<10000x128xf32, #tpu.memory_space<vmem_shared>> -> memref<16x128xf32, #tpu.memory_space<vmem_shared>>
        %dma_wait3A_123 = arith.constant 0 : i32
        %dma_wait3A_124 = arith.constant 0 : i32
        %dma_wait3A_125 = tpu.memref_slice %arg10[%dma_wait3A_123, %dma_wait3A_124] : memref<104x128xf32, #tpu.memory_space<vmem>> -> memref<16x128xf32, #tpu.memory_space<vmem>>
        %dma_wait3A_126 = arith.constant 9984 : i32
        %dma_wait3A_127 = arith.constant 0 : i32
        %dma_wait3A_128 = tpu.memref_slice %arg11[%dma_wait3A_126, %dma_wait3A_127] : memref<10000x128xf32, #tpu.memory_space<vmem_shared>> -> memref<16x128xf32, #tpu.memory_space<vmem_shared>>
        tpu.wait_dma2 semaphore(%run_scoped3A_104 : memref<!tpu.dma_semaphore, #tpu.memory_space<semaphore_mem>>) src(%dma_wait3A_128 : memref<16x128xf32, #tpu.memory_space<vmem_shared>>) dst(%dma_wait3A_125 : memref<16x128xf32, #tpu.memory_space<vmem>>)
        tpu.yield
      }) : () -> ()
      "tpu.region"() ({
        %run_scoped3A_104 = tpu.sem_alloc : memref<!tpu.dma_semaphore, #tpu.memory_space<semaphore_mem>>
        %dma_start3A_105 = arith.constant 0 : i32
        %dma_start3A_106 = arith.constant 0 : i32
        %dma_start3A_107 = tpu.memref_slice %arg10[%dma_start3A_105, %dma_start3A_106] : memref<104x128xf32, #tpu.memory_space<vmem>> -> memref<16x128xf32, #tpu.memory_space<vmem>>
        %dma_start3A_108 = arith.constant 9984 : i32
        %dma_start3A_109 = arith.constant 0 : i32
        %dma_start3A_110 = tpu.memref_slice %arg6[%arg0, %dma_start3A_108, %dma_start3A_109] : memref<2x10000x128xf32, #tpu.memory_space<hbm>> -> memref<1x16x128xf32, #tpu.memory_space<hbm>>
        %dma_start3A_111 = tpu.memref_squeeze %dma_start3A_110 : memref<1x16x128xf32, #tpu.memory_space<hbm>> -> memref<16x128xf32, #tpu.memory_space<hbm>>
        %dma_start3A_112 = arith.constant 9984 : i32
        %dma_start3A_113 = arith.constant 0 : i32
        %dma_start3A_114 = tpu.memref_slice %arg6[%arg0, %dma_start3A_112, %dma_start3A_113] : memref<2x10000x128xf32, #tpu.memory_space<hbm>> -> memref<1x16x128xf32, #tpu.memory_space<hbm>>
        %dma_start3A_115 = tpu.memref_squeeze %dma_start3A_114 : memref<1x16x128xf32, #tpu.memory_space<hbm>> -> memref<16x128xf32, #tpu.memory_space<hbm>>
        %dma_start3A_116 = arith.constant 0 : i32
        %dma_start3A_117 = arith.constant 0 : i32
        %dma_start3A_118 = tpu.memref_slice %arg10[%dma_start3A_116, %dma_start3A_117] : memref<104x128xf32, #tpu.memory_space<vmem>> -> memref<16x128xf32, #tpu.memory_space<vmem>>
        tpu.enqueue_dma source(%dma_start3A_118 : memref<16x128xf32, #tpu.memory_space<vmem>>) target(%dma_start3A_115 : memref<16x128xf32, #tpu.memory_space<hbm>>) target_semaphore(%run_scoped3A_104 : memref<!tpu.dma_semaphore, #tpu.memory_space<semaphore_mem>>)
        %dma_wait3A_119 = arith.constant 0 : i32
        %dma_wait3A_120 = arith.constant 0 : i32
        %dma_wait3A_121 = tpu.memref_slice %arg10[%dma_wait3A_119, %dma_wait3A_120] : memref<104x128xf32, #tpu.memory_space<vmem>> -> memref<16x128xf32, #tpu.memory_space<vmem>>
        %dma_wait3A_122 = arith.constant 9984 : i32
        %dma_wait3A_123 = arith.constant 0 : i32
        %dma_wait3A_124 = tpu.memref_slice %arg6[%arg0, %dma_wait3A_122, %dma_wait3A_123] : memref<2x10000x128xf32, #tpu.memory_space<hbm>> -> memref<1x16x128xf32, #tpu.memory_space<hbm>>
        %dma_wait3A_125 = tpu.memref_squeeze %dma_wait3A_124 : memref<1x16x128xf32, #tpu.memory_space<hbm>> -> memref<16x128xf32, #tpu.memory_space<hbm>>
        %dma_wait3A_126 = arith.constant 9984 : i32
        %dma_wait3A_127 = arith.constant 0 : i32
        %dma_wait3A_128 = tpu.memref_slice %arg6[%arg0, %dma_wait3A_126, %dma_wait3A_127] : memref<2x10000x128xf32, #tpu.memory_space<hbm>> -> memref<1x16x128xf32, #tpu.memory_space<hbm>>
        %dma_wait3A_129 = tpu.memref_squeeze %dma_wait3A_128 : memref<1x16x128xf32, #tpu.memory_space<hbm>> -> memref<16x128xf32, #tpu.memory_space<hbm>>
        %dma_wait3A_130 = arith.constant 0 : i32
        %dma_wait3A_131 = arith.constant 0 : i32
        %dma_wait3A_132 = tpu.memref_slice %arg10[%dma_wait3A_130, %dma_wait3A_131] : memref<104x128xf32, #tpu.memory_space<vmem>> -> memref<16x128xf32, #tpu.memory_space<vmem>>
        tpu.wait_dma2 semaphore(%run_scoped3A_104 : memref<!tpu.dma_semaphore, #tpu.memory_space<semaphore_mem>>) src(%dma_wait3A_132 : memref<16x128xf32, #tpu.memory_space<vmem>>) dst(%dma_wait3A_129 : memref<16x128xf32, #tpu.memory_space<hbm>>)
        tpu.yield
      }) : () -> ()
    } else {
    }
    return
  }
}

module attributes {stable_mosaic.version = 14 : i64} {
  func.func @_tc_first(%arg0: i32, %arg1: memref<1000x128xf32, #tpu.memory_space<vmem>>, %arg2: memref<1000x8xf32, #tpu.memory_space<vmem>>, %arg3: memref<128x128xf32, #tpu.memory_space<vmem>>, %arg4: memref<1000x128xf32, #tpu.memory_space<vmem>>) attributes {dimension_semantics = [#tpu.dimension_semantics<arbitrary>], iteration_bounds = array<i64: 10>, scalar_prefetch = 0 : i64, scratch_operands = 0 : i64, tpu.core_type = #tpu.core_type<tc>, window_params = [{transform_indices = @transform_0, window_bounds = array<i64: 1000, 128>}, {transform_indices = @transform_1, window_bounds = array<i64: 1000, 8>}, {pipeline_mode = #tpu.pipeline_mode<synchronous>, transform_indices = @transform_2, window_bounds = array<i64: 128, 128>}, {transform_indices = @transform_3, window_bounds = array<i64: 1000, 128>}]} {
    %get3A = arith.constant 0 : index
    %get3A_0 = arith.constant 0 : index
    %get3A_1 = vector.load %arg2[%get3A, %get3A_0] : memref<1000x8xf32, #tpu.memory_space<vmem>>, vector<1000x8xf32>
    %slice3A = vector.extract_strided_slice %get3A_1 {offsets = [0, 0], sizes = [1000, 1], strides = [1, 1]} : vector<1000x8xf32> to vector<1000x1xf32>
    %add3A = arith.constant 1.000000e+00 : f32
    %add3A_2 = vector.broadcast %add3A : f32 to vector<1000x1xf32>
    %add3A_3 = arith.addf %slice3A, %add3A_2 : vector<1000x1xf32>
    %rsqrt3A = math.rsqrt %add3A_3 : vector<1000x1xf32>
    %get3A_4 = arith.constant 0 : index
    %get3A_5 = arith.constant 0 : index
    %get3A_6 = vector.load %arg1[%get3A_4, %get3A_5] : memref<1000x128xf32, #tpu.memory_space<vmem>>, vector<1000x128xf32>
    %get3A_7 = arith.constant 0 : index
    %get3A_8 = arith.constant 0 : index
    %get3A_9 = vector.load %arg3[%get3A_7, %get3A_8] : memref<128x128xf32, #tpu.memory_space<vmem>>, vector<128x128xf32>
    %dot_general3A = arith.constant dense<0.000000e+00> : vector<1000x128xf32>
    %dot_general3A_10 = tpu.matmul %get3A_6, %get3A_9, %dot_general3A {dimension_numbers = #tpu.dot_dimension_numbers<[1], [0], [0], [1], [0, 0, 1, 1], [], []>, transpose_lhs_hint = false} : vector<1000x128xf32>, vector<128x128xf32>, vector<1000x128xf32> -> vector<1000x128xf32>
    %mul3A = vector.broadcast %rsqrt3A : vector<1000x1xf32> to vector<1000x128xf32>
    %mul3A_11 = arith.mulf %mul3A, %dot_general3A_10 : vector<1000x128xf32>
    %swap3A = arith.constant 0 : index
    %swap3A_12 = arith.constant 0 : index
    %swap3A_13 = vector.load %arg4[%swap3A, %swap3A_12] : memref<1000x128xf32, #tpu.memory_space<vmem>>, vector<1000x128xf32>
    tpu.vector_store %arg4[%swap3A, %swap3A_12], %mul3A_11 {strides = array<i32>} : memref<1000x128xf32, #tpu.memory_space<vmem>>, vector<1000x128xf32>,
    return
  }
  func.func @transform_0(%arg0: i32) -> (i32, i32) {
    %c0_i32 = arith.constant 0 : i32
    %c0_i32_0 = arith.constant 0 : i32
    return %arg0, %c0_i32 : i32, i32
  }
  func.func @transform_1(%arg0: i32) -> (i32, i32) {
    %c0_i32 = arith.constant 0 : i32
    %c0_i32_0 = arith.constant 0 : i32
    return %arg0, %c0_i32 : i32, i32
  }
  func.func @transform_2(%arg0: i32) -> (i32, i32) {
    %c0_i32 = arith.constant 0 : i32
    %c0_i32_0 = arith.constant 0 : i32
    %c0_i32_1 = arith.constant 0 : i32
    return %c0_i32, %c0_i32_0 : i32, i32
  }
  func.func @transform_3(%arg0: i32) -> (i32, i32) {
    %c0_i32 = arith.constant 0 : i32
    %c0_i32_0 = arith.constant 0 : i32
    return %arg0, %c0_i32 : i32, i32
  }
}

module attributes {stable_mosaic.version = 14 : i64} {
  func.func @_tc_mid(%arg0: i32, %arg1: memref<2x1000x128xf32, #tpu.memory_space<vmem>>, %arg2: memref<1000x128xf32, #tpu.memory_space<vmem>>, %arg3: memref<1000x8xf32, #tpu.memory_space<vmem>>, %arg4: memref<1x128xf32, #tpu.memory_space<vmem>>, %arg5: memref<128x128xf32, #tpu.memory_space<vmem>>, %arg6: memref<1000x128xf32, #tpu.memory_space<vmem>>) attributes {dimension_semantics = [#tpu.dimension_semantics<arbitrary>], iteration_bounds = array<i64: 10>, scalar_prefetch = 0 : i64, scratch_operands = 0 : i64, tpu.core_type = #tpu.core_type<tc>, window_params = [{transform_indices = @transform_0, window_bounds = array<i64: 2, 1000, 128>}, {transform_indices = @transform_1, window_bounds = array<i64: 1000, 128>}, {transform_indices = @transform_2, window_bounds = array<i64: 1000, 8>}, {pipeline_mode = #tpu.pipeline_mode<synchronous>, transform_indices = @transform_3, window_bounds = array<i64: 1, 128>}, {pipeline_mode = #tpu.pipeline_mode<synchronous>, transform_indices = @transform_4, window_bounds = array<i64: 128, 128>}, {transform_indices = @transform_5, window_bounds = array<i64: 1000, 128>}]} {
    %get3A = arith.constant 0 : index
    %get3A_0 = arith.constant 0 : index
    %get3A_1 = vector.load %arg3[%get3A, %get3A_0] : memref<1000x8xf32, #tpu.memory_space<vmem>>, vector<1000x8xf32>
    %slice3A = vector.extract_strided_slice %get3A_1 {offsets = [0, 0], sizes = [1000, 1], strides = [1, 1]} : vector<1000x8xf32> to vector<1000x1xf32>
    %add3A = arith.constant 1.000000e+00 : f32
    %add3A_2 = vector.broadcast %add3A : f32 to vector<1000x1xf32>
    %add3A_3 = arith.addf %slice3A, %add3A_2 : vector<1000x1xf32>
    %rsqrt3A = math.rsqrt %add3A_3 : vector<1000x1xf32>
    %get3A_4 = arith.constant 0 : index
    %get3A_5 = arith.constant 0 : index
    %get3A_6 = arith.constant 0 : index
    %get3A_7 = vector.load %arg1[%get3A_4, %get3A_5, %get3A_6] : memref<2x1000x128xf32, #tpu.memory_space<vmem>>, vector<1x1000x128xf32>
    %get3A_8 = vector.shape_cast %get3A_7 : vector<1x1000x128xf32> to vector<1000x128xf32>
    %get3A_9 = arith.constant 1 : index
    %get3A_10 = arith.constant 0 : index
    %get3A_11 = arith.constant 0 : index
    %get3A_12 = vector.load %arg1[%get3A_9, %get3A_10, %get3A_11] : memref<2x1000x128xf32, #tpu.memory_space<vmem>>, vector<1x1000x128xf32>
    %get3A_13 = vector.shape_cast %get3A_12 : vector<1x1000x128xf32> to vector<1000x128xf32>
    %add3A_14 = arith.addf %get3A_8, %get3A_13 : vector<1000x128xf32>
    %get3A_15 = arith.constant 0 : index
    %get3A_16 = arith.constant 0 : index
    %get3A_17 = vector.load %arg2[%get3A_15, %get3A_16] : memref<1000x128xf32, #tpu.memory_space<vmem>>, vector<1000x128xf32>
    %add3A_18 = arith.addf %add3A_14, %get3A_17 : vector<1000x128xf32>
    %mul3A = vector.broadcast %rsqrt3A : vector<1000x1xf32> to vector<1000x128xf32>
    %mul3A_19 = arith.mulf %mul3A, %add3A_18 : vector<1000x128xf32>
    %get3A_20 = arith.constant 0 : index
    %get3A_21 = arith.constant 0 : index
    %get3A_22 = vector.load %arg4[%get3A_20, %get3A_21] : memref<1x128xf32, #tpu.memory_space<vmem>>, vector<1x128xf32>
    %add3A_23 = vector.broadcast %get3A_22 : vector<1x128xf32> to vector<1000x128xf32>
    %add3A_24 = arith.addf %mul3A_19, %add3A_23 : vector<1000x128xf32>
    %max3A = arith.constant 0.000000e+00 : f32
    %max3A_25 = vector.broadcast %max3A : f32 to vector<1000x128xf32>
    %max3A_26 = arith.maximumf %add3A_24, %max3A_25 : vector<1000x128xf32>
    %get3A_27 = arith.constant 0 : index
    %get3A_28 = arith.constant 0 : index
    %get3A_29 = vector.load %arg5[%get3A_27, %get3A_28] : memref<128x128xf32, #tpu.memory_space<vmem>>, vector<128x128xf32>
    %dot_general3A = arith.constant dense<0.000000e+00> : vector<1000x128xf32>
    %dot_general3A_30 = tpu.matmul %max3A_26, %get3A_29, %dot_general3A {dimension_numbers = #tpu.dot_dimension_numbers<[1], [0], [0], [1], [0, 0, 1, 1], [], []>, transpose_lhs_hint = false} : vector<1000x128xf32>, vector<128x128xf32>, vector<1000x128xf32> -> vector<1000x128xf32>
    %mul3A_31 = vector.broadcast %rsqrt3A : vector<1000x1xf32> to vector<1000x128xf32>
    %mul3A_32 = arith.mulf %mul3A_31, %dot_general3A_30 : vector<1000x128xf32>
    %swap3A = arith.constant 0 : index
    %swap3A_33 = arith.constant 0 : index
    %swap3A_34 = vector.load %arg6[%swap3A, %swap3A_33] : memref<1000x128xf32, #tpu.memory_space<vmem>>, vector<1000x128xf32>
    tpu.vector_store %arg6[%swap3A, %swap3A_33], %mul3A_32 {strides = array<i32>} : memref<1000x128xf32, #tpu.memory_space<vmem>>, vector<1000x128xf32>,
    return
  }
  func.func @transform_0(%arg0: i32) -> (i32, i32, i32) {
    %c0_i32 = arith.constant 0 : i32
    %c0_i32_0 = arith.constant 0 : i32
    %c0_i32_1 = arith.constant 0 : i32
    return %c0_i32, %arg0, %c0_i32_0 : i32, i32, i32
  }
  func.func @transform_1(%arg0: i32) -> (i32, i32) {
    %c0_i32 = arith.constant 0 : i32
    %c0_i32_0 = arith.constant 0 : i32
    return %arg0, %c0_i32 : i32, i32
  }
  func.func @transform_2(%arg0: i32) -> (i32, i32) {
    %c0_i32 = arith.constant 0 : i32
    %c0_i32_0 = arith.constant 0 : i32
    return %arg0, %c0_i32 : i32, i32
  }
  func.func @transform_3(%arg0: i32) -> (i32, i32) {
    %c0_i32 = arith.constant 0 : i32
    %c0_i32_0 = arith.constant 0 : i32
    %c0_i32_1 = arith.constant 0 : i32
    return %c0_i32, %c0_i32_0 : i32, i32
  }
  func.func @transform_4(%arg0: i32) -> (i32, i32) {
    %c0_i32 = arith.constant 0 : i32
    %c0_i32_0 = arith.constant 0 : i32
    %c0_i32_1 = arith.constant 0 : i32
    return %c0_i32, %c0_i32_0 : i32, i32
  }
  func.func @transform_5(%arg0: i32) -> (i32, i32) {
    %c0_i32 = arith.constant 0 : i32
    %c0_i32_0 = arith.constant 0 : i32
    return %arg0, %c0_i32 : i32, i32
  }
}

module attributes {stable_mosaic.version = 14 : i64} {
  func.func @_tc_last(%arg0: memref<2x10000x128xf32, #tpu.memory_space<vmem>>, %arg1: memref<10000x128xf32, #tpu.memory_space<vmem>>, %arg2: memref<10000x8xf32, #tpu.memory_space<vmem>>, %arg3: memref<1x128xf32, #tpu.memory_space<vmem>>, %arg4: memref<1x10000xi32, #tpu.memory_space<vmem>>, %arg5: memref<128x1xf32, #tpu.memory_space<vmem>>, %arg6: memref<1x1xf32, #tpu.memory_space<vmem>>, %arg7: memref<64x1xf32, #tpu.memory_space<vmem>>) attributes {dimension_semantics = [], scalar_prefetch = 0 : i64, scratch_operands = 0 : i64, tpu.core_type = #tpu.core_type<tc>} {
    %get3A = arith.constant 0 : index
    %get3A_0 = arith.constant 0 : index
    %get3A_1 = vector.load %arg2[%get3A, %get3A_0] : memref<10000x8xf32, #tpu.memory_space<vmem>>, vector<10000x8xf32>
    %slice3A = vector.extract_strided_slice %get3A_1 {offsets = [0, 0], sizes = [10000, 1], strides = [1, 1]} : vector<10000x8xf32> to vector<10000x1xf32>
    %add3A = arith.constant 1.000000e+00 : f32
    %add3A_2 = vector.broadcast %add3A : f32 to vector<10000x1xf32>
    %add3A_3 = arith.addf %slice3A, %add3A_2 : vector<10000x1xf32>
    %rsqrt3A = math.rsqrt %add3A_3 : vector<10000x1xf32>
    %get3A_4 = arith.constant 0 : index
    %get3A_5 = arith.constant 0 : index
    %get3A_6 = arith.constant 0 : index
    %get3A_7 = vector.load %arg0[%get3A_4, %get3A_5, %get3A_6] : memref<2x10000x128xf32, #tpu.memory_space<vmem>>, vector<1x10000x128xf32>
    %get3A_8 = vector.shape_cast %get3A_7 : vector<1x10000x128xf32> to vector<10000x128xf32>
    %get3A_9 = arith.constant 1 : index
    %get3A_10 = arith.constant 0 : index
    %get3A_11 = arith.constant 0 : index
    %get3A_12 = vector.load %arg0[%get3A_9, %get3A_10, %get3A_11] : memref<2x10000x128xf32, #tpu.memory_space<vmem>>, vector<1x10000x128xf32>
    %get3A_13 = vector.shape_cast %get3A_12 : vector<1x10000x128xf32> to vector<10000x128xf32>
    %add3A_14 = arith.addf %get3A_8, %get3A_13 : vector<10000x128xf32>
    %get3A_15 = arith.constant 0 : index
    %get3A_16 = arith.constant 0 : index
    %get3A_17 = vector.load %arg1[%get3A_15, %get3A_16] : memref<10000x128xf32, #tpu.memory_space<vmem>>, vector<10000x128xf32>
    %add3A_18 = arith.addf %add3A_14, %get3A_17 : vector<10000x128xf32>
    %mul3A = vector.broadcast %rsqrt3A : vector<10000x1xf32> to vector<10000x128xf32>
    %mul3A_19 = arith.mulf %mul3A, %add3A_18 : vector<10000x128xf32>
    %get3A_20 = arith.constant 0 : index
    %get3A_21 = arith.constant 0 : index
    %get3A_22 = vector.load %arg3[%get3A_20, %get3A_21] : memref<1x128xf32, #tpu.memory_space<vmem>>, vector<1x128xf32>
    %add3A_23 = vector.broadcast %get3A_22 : vector<1x128xf32> to vector<10000x128xf32>
    %add3A_24 = arith.addf %mul3A_19, %add3A_23 : vector<10000x128xf32>
    %max3A = arith.constant 0.000000e+00 : f32
    %max3A_25 = vector.broadcast %max3A : f32 to vector<10000x128xf32>
    %max3A_26 = arith.maximumf %add3A_24, %max3A_25 : vector<10000x128xf32>
    %iota3A = tpu.iota {dimensions = array<i32: 0>} : vector<64x10000xi32>
    %get3A_27 = arith.constant 0 : index
    %get3A_28 = arith.constant 0 : index
    %get3A_29 = vector.load %arg4[%get3A_27, %get3A_28] : memref<1x10000xi32, #tpu.memory_space<vmem>>, vector<1x10000xi32>
    %eq3A = vector.broadcast %get3A_29 : vector<1x10000xi32> to vector<64x10000xi32>
    %eq3A_30 = arith.cmpi eq, %eq3A, %iota3A : vector<64x10000xi32>
    %convert_element_type3A = arith.extui %eq3A_30 : vector<64x10000xi1> to vector<64x10000xi32>
    %convert_element_type3A_31 = arith.sitofp %convert_element_type3A : vector<64x10000xi32> to vector<64x10000xf32>
    %reduce_sum3A = arith.constant dense<0.000000e+00> : vector<64xf32>
    %reduce_sum3A_32 = vector.multi_reduction <add>, %convert_element_type3A_31, %reduce_sum3A [1] : vector<64x10000xf32> to vector<64xf32>
    %broadcast_in_dim3A = vector.shape_cast %reduce_sum3A_32 : vector<64xf32> to vector<64x1xf32>
    %dot_general3A = arith.constant dense<0.000000e+00> : vector<64x128xf32>
    %dot_general3A_33 = tpu.matmul %convert_element_type3A_31, %max3A_26, %dot_general3A {dimension_numbers = #tpu.dot_dimension_numbers<[1], [0], [0], [1], [0, 0, 1, 1], [], []>, transpose_lhs_hint = false} : vector<64x10000xf32>, vector<10000x128xf32>, vector<64x128xf32> -> vector<64x128xf32>
    %max3A_34 = arith.constant 1.000000e+00 : f32
    %max3A_35 = vector.broadcast %max3A_34 : f32 to vector<64x1xf32>
    %max3A_36 = arith.maximumf %broadcast_in_dim3A, %max3A_35 : vector<64x1xf32>
    %div3A = vector.broadcast %max3A_36 : vector<64x1xf32> to vector<64x128xf32>
    %div3A_37 = arith.divf %dot_general3A_33, %div3A : vector<64x128xf32>
    %get3A_38 = arith.constant 0 : index
    %get3A_39 = arith.constant 0 : index
    %get3A_40 = vector.load %arg5[%get3A_38, %get3A_39] : memref<128x1xf32, #tpu.memory_space<vmem>>, vector<128x1xf32>
    %dot_general3A_41 = arith.constant dense<0.000000e+00> : vector<64x1xf32>
    %dot_general3A_42 = tpu.matmul %div3A_37, %get3A_40, %dot_general3A_41 {dimension_numbers = #tpu.dot_dimension_numbers<[1], [0], [0], [1], [0, 0, 1, 1], [], []>, transpose_lhs_hint = false} : vector<64x128xf32>, vector<128x1xf32>, vector<64x1xf32> -> vector<64x1xf32>
    %get3A_43 = arith.constant 0 : index
    %get3A_44 = arith.constant 0 : index
    %get3A_45 = vector.load %arg6[%get3A_43, %get3A_44] : memref<1x1xf32, #tpu.memory_space<vmem>>, vector<1x1xf32>
    %add3A_46 = vector.broadcast %get3A_45 : vector<1x1xf32> to vector<64x1xf32>
    %add3A_47 = arith.addf %dot_general3A_42, %add3A_46 : vector<64x1xf32>
    %swap3A = arith.constant 0 : index
    %swap3A_48 = arith.constant 0 : index
    %swap3A_49 = vector.load %arg7[%swap3A, %swap3A_48] : memref<64x1xf32, #tpu.memory_space<vmem>>, vector<64x1xf32>
    tpu.vector_store %arg7[%swap3A, %swap3A_48], %add3A_47 {strides = array<i32>} : memref<64x1xf32, #tpu.memory_space<vmem>>, vector<64x1xf32>,
    return
  }
}

</mosaic_0001>

<sc_bundles>
// kernel: body.8.cloned.1.call-start
scs
__scs_entry_jumppad:
0x0: {  	(pc) =	sbr.rel $0x88, $3  }
0x1: {  	(tag) =	ssettag $0x0;
	lr =	simm.s32 $0x1  }
0x2: {  	[smem:$0x3F96] =	sst lr;
	_ =	strace $0xD0000000  }
0x3: {  	_ = 	snop  }
0x4: {  	_ = 	snop  }
0x5: {  	_ = 	snop  }
0x6: {  	_ = 	snop  }
0x7: {  	_ = 	snop  }
__scs_overlays_trampoline_lowered:
0x8: {  	[smem:$0x3FA5] =	sst s0  }
0x9: {  	[smem:$0x3FA6] =	sst s1  }
0xa: {  	[smem:$0x3FA7] =	sst s2  }
0xb: {  	[smem:$0x3FA8] =	sst s3  }
0xc: {  	[smem:$0x3FA9] =	sst s4  }
0xd: {  	[smem:$0x3FAA] =	sst s5  }
0xe: {  	[smem:$0x3FAB] =	sst s6  }
0xf: {  	[smem:$0x3FAC] =	sst s7  }
0x10: {  	[smem:$0x3FAD] =	sst s8  }
0x11: {  	[smem:$0x3FAE] =	sst s9;
	s0 =	simm.s32 @!p0 $0x0  }
0x12: {  	s1 =	sld [smem:$0x3F94];
	s0 =	simm.s32 @p0 $0x1  }
0x13: {  	[smem:$0x3FAF] =	sst s0;
	s0 =	simm.s32 @!p1 $0x0  }
0x14: {  	s2 =	sld [smem:$0x3F93];
	s0 =	simm.s32 @p1 $0x1  }
0x15: {  	[smem:$0x3FB0] =	sst s0;
	s0 =	simm.s32 @!p2 $0x0  }
0x16: {  	s3 =	sld [smem:$0x3FDB];
	s0 =	simm.s32 @p2 $0x1  }
0x17: {  	s4 =	simm.s32 $0x1BF5;
	[smem:$0x3FB2] =	sst s0  }
0x18: {  	s0 =	sld [smem:$0x3F95];
	_ =	swait.ge [sflag:s4], $0x0  }
0x19: {  	s7 =	sld [smem:$0x3F96]  }
0x1a: {  	s8 =	sadd.s32 $0xFFFFE003, lr  }
0x1b: {  	s9 =	sadd.s32 $0xFFFFFEF7, lr;
	s5 =	simm.s32 $0xFFFFFFFF;
	p2 =	slt.u32 s8, $0xFFFFF086  }
0x1c: {  	p1 =	slt.u32 s9, $0xF7A;
	s5 =	simm.s32 @!p2 $0x0  }
0x1d: {  	s5 =	simm.s32 @p1 $0x1;
	p0 =	seq.s32 s7, s2  }
0x1e: {  	s7 =	smul.u32 @!p0 $0xF7A, s2;
	p2 =	seq.s32 @!p0 s5, $0x0  }
0x1f: {  	s9 =	smul.u32 $0xF7A, s1;
	s8 =	simm.s32 @!p0 $0x1BF5;
	p2 =	por !p2, p0  }
0x20: {  	[sflag:s8] =	ssyncset.s32 @!p0 $0xFFFFF086;
	s6 =	sadd.s32 @!p0 s3, s7;
	s7 =	simm.s32 @!p0 $0x108  }
0x21: {  	s3 =	sadd.s32 s3, s9;
	s6 =	sadd.s32 @!p0 $0x88, s6;
	s7 =	simm.s32 @p2 $0x1082  }
0x22: {  	[simem:s7], [sflag:s8] =	dma.local @!p0 [hbm:s6], $0xF7A  }
0x23: {  	s9 =	sor.u32 $0xD0000000, s2;
	s6 =	simm.s32 $0x108;
	_ =	swait.ge @!p0 [sflag:s8], $0x0  }
0x24: {  	s3 =	sadd.s32 $0x88, s3;
	s6 =	simm.s32 @!p1 $0x1082;
	[sflag:s4] =	ssyncset.s32 $0xFFFFF086  }
0x25: {  	[simem:s6], [sflag:s4] =	dma.local [hbm:s3], $0xF7A  }
0x26: {  	[smem:$0x3F96] =	sst s1;
	(tag) =	ssettag s2;
	_ =	strace s9  }
0x27: {  	s1 =	sld [smem:$0x3FA6]  }
0x28: {  	s2 =	sld [smem:$0x3FA7]  }
0x29: {  	s4 =	sld [smem:$0x3FA9]  }
0x2a: {  	p0 =	seq.s32 s5, $0x0;
	s5 =	sld [smem:$0x3FAA]  }
0x2b: {  	s6 =	sld [smem:$0x3FAB]  }
0x2c: {  	s7 =	sld [smem:$0x3FAC]  }
0x2d: {  	s3 =	simm.s32 $0x108;
	s8 =	sld [smem:$0x3FAD]  }
0x2e: {  	s3 =	simm.s32 @!p0 $0x1082;
	s9 =	sld [smem:$0x3FAE]  }
0x2f: {  	lr =	sadd.s32 s0, s3;
	s0 =	sld [smem:$0x3FA5]  }
0x30: {  	s3 =	sld [smem:$0x3FA8]  }
0x31: {  	[smem:$0x3FB1] =	sst s10  }
0x32: {  	s10 =	sld [smem:$0x3FAF];
	_ =	sdelay $0x3  }
0x33: {  	p0 =	seq.s32 s10, $0x1;
	s10 =	sld [smem:$0x3FB1];
	_ =	sdelay $0x3  }
0x34: {  	[smem:$0x3FB1] =	sst s10  }
0x35: {  	s10 =	sld [smem:$0x3FB0];
	_ =	sdelay $0x3  }
0x36: {  	p1 =	seq.s32 s10, $0x1;
	s10 =	sld [smem:$0x3FB1];
	_ =	sdelay $0x3  }
0x37: {  	[smem:$0x3FB1] =	sst s10  }
0x38: {  	s10 =	sld [smem:$0x3FB2]  }
0x39: {  	_ = 	snop;
	(pc) =	sbr.ind lr, $3  }
0x3a: {  	_ = 	snop  }
0x3b: {  	_ = 	snop  }
0x3c: {  	p2 =	seq.s32 s10, $0x1;
	s10 =	sld [smem:$0x3FB1]  }
0x3d: {  	_ =	shalt  }
0x3e: {  	_ =	shalt  }
0x3f: {  	_ =	shalt  }
0x40: {  	_ =	shalt  }
0x41: {  	_ =	shalt  }
0x42: {  	_ =	shalt  }
0x43: {  	_ =	shalt  }
0x44: {  	_ =	shalt  }
0x45: {  	_ =	shalt  }
0x46: {  	_ =	shalt  }
0x47: {  	_ =	shalt  }
0x48: {  	_ =	shalt  }
0x49: {  	_ =	shalt  }
0x4a: {  	_ =	shalt  }
0x4b: {  	_ =	shalt  }
0x4c: {  	_ =	shalt  }
0x4d: {  	_ =	shalt  }
0x4e: {  	_ =	shalt  }
0x4f: {  	_ =	shalt  }
0x50: {  	_ =	shalt  }
0x51: {  	_ =	shalt  }
0x52: {  	_ =	shalt  }
0x53: {  	_ =	shalt  }
0x54: {  	_ =	shalt  }
0x55: {  	_ =	shalt  }
0x56: {  	_ =	shalt  }
0x57: {  	_ =	shalt  }
0x58: {  	_ =	shalt  }
0x59: {  	_ =	shalt  }
0x5a: {  	_ =	shalt  }
0x5b: {  	_ =	shalt  }
0x5c: {  	_ =	shalt  }
0x5d: {  	_ =	shalt  }
0x5e: {  	_ =	shalt  }
0x5f: {  	_ =	shalt  }
0x60: {  	_ =	shalt  }
0x61: {  	_ =	shalt  }
0x62: {  	_ =	shalt  }
0x63: {  	_ =	shalt  }
0x64: {  	_ =	shalt  }
0x65: {  	_ =	shalt  }
0x66: {  	_ =	shalt  }
0x67: {  	_ =	shalt  }
0x68: {  	_ =	shalt  }
0x69: {  	_ =	shalt  }
0x6a: {  	_ =	shalt  }
0x6b: {  	_ =	shalt  }
0x6c: {  	_ =	shalt  }
0x6d: {  	_ =	shalt  }
0x6e: {  	_ =	shalt  }
0x6f: {  	_ =	shalt  }
0x70: {  	_ =	shalt  }
0x71: {  	_ =	shalt  }
0x72: {  	_ =	shalt  }
0x73: {  	_ =	shalt  }
0x74: {  	_ =	shalt  }
0x75: {  	_ =	shalt  }
0x76: {  	_ =	shalt  }
0x77: {  	_ =	shalt  }
0x78: {  	_ =	shalt  }
0x79: {  	_ =	shalt  }
0x7a: {  	_ =	shalt  }
0x7b: {  	_ =	shalt  }
0x7c: {  	_ =	shalt  }
0x7d: {  	_ =	shalt  }
0x7e: {  	_ =	shalt  }
0x7f: {  	_ =	shalt  }
0x80: {  	_ =	shalt  }
0x81: {  	_ =	shalt  }
0x82: {  	_ =	shalt  }
0x83: {  	_ =	shalt  }
0x84: {  	_ =	shalt  }
0x85: {  	_ =	shalt  }
0x86: {  	_ =	shalt  }
0x87: {  	_ =	shalt  }
.Lfunc_end0:
.L_simem_size_0:
called_computation_lowered:
.L_overlay_start_0:
0x88: {  	s2 =	sld [smem:$0x3FD9]  }
0x89: {  	s3 =	sld [smem:$0x3FFE];
	_ =	sdelay $0x1  }
0x8a: {  	s1 =	srdreg.scid  }
0x8b: {  	s0 =	sand.u32 $0x1, s1  }
0x8c: {  	s16 =	sshll.u32 s0, $0xA;
	s2 =	sadd.s32 s3, s2  }
0x8d: {  	s2 =	sadd.s32 s2, s16  }
0x8e: {  	[smem:$0x3FBD] =	sst s2  }
0x8f: {  	_ = 	snop  }
0x90: {  	(tm) =	ssettm $0x1  }
0x91: {  	s17 =	sld [smem:$0x3FFB];
	_ =	sdelay $0x3  }
0x92: {  	_ =	strace s17  }
0x93: {  	s2 =	sld [smem:$0x3FFC];
	_ =	sdelay $0x3  }
0x94: {  	_ =	strace s2  }
0x95: {  	s2 =	sld [smem:$0x3FFD];
	_ =	sdelay $0x3  }
0x96: {  	_ =	strace s2  }
0x97: {  	_ =	strace $0x8FFFFFFF  }
0x98: {  	s18 =	sld [smem:$0x3FDB];
	_ =	sdelay $0x1  }
0x99: {  	s19 =	simm.s32 $_scs_section_size  }
0x9a: {  	s4 =	simm.s32 $_size__tile_overlayer_lowered;
	s5 =	simm.s32 $_tile_overlayer_lowered  }
0x9b: {  	s22 =	simm.s32 $0x1BFF;
	s21 =	sshll.u32 s5, $0x1;
	s2 =	sadd.s32 s19, s18  }
0x9c: {  	s6 =	simm.s32 $0x0;
	s20 =	sshll.u32 s4, $0x1;
	s4 =	sadd.s32 s21, s2  }
0x9d: {  	[timem:s6], [sflag:s22] =	dma.local [hbm:s4], s20  }
0x9e: {  	_ =	swait.ge [sflag:s22], s20  }
0x9f: {  	s3 =	ssub.s32 $0x0, s20;
	[sflag:s22] =	ssyncset.done $0x0  }
0xa0: {  	[sflag:s22] =	ssyncadd.s32 s3;
	_ =	sdelay $0x1  }
0xa1: {  	s23 =	simm.s32 $0x1B8B  }
0xa2: {  	_ =	swait.ge [sflag:s23], $0x1  }
0xa3: {  	[sflag:s23] =	ssyncset.done $0x0  }
0xa4: {  	s25 =	simm.s32 $0x1B8E;
	s24 =	sld [smem:$0x3FFE];
	[sflag:s23] =	ssyncadd.s32 $0xFFFFFFFF  }
0xa5: {  	s26 =	simm.s32 $execute0_lowered;
	[smem:$0x3FD2] =	sst s25  }
0xa6: {  	s4 =	sshll.u32 s26, $0x1;
	_ =	strace $0x80000049;
	[dreg:$0x1] =	wrdreg $0xFFFFFFFF  }
0xa7: {  	s28 =	simm.s32 $_size_execute0_lowered;
	s2 =	sadd.s32 s2, s4;
	[dreg:$0x0] =	wrdreg $0x0  }
0xa8: {  	s4 =	sshll.u32 s28, $0x1;
	[dreg:$0x2] =	wrdreg s2  }
0xa9: {  	[dreg:$0x3] =	wrdreg s4  }
0xaa: {  	[dreg:$0x4] =	wrdreg $0xC0  }
0xab: {  	_ =	task [dreg:s6], $0x5FFFF  }
0xac: {  	[dreg:$0x1] =	wrdreg $0xFFFFFFFF  }
0xad: {  	[dreg:$0x0] =	wrdreg $0x60  }
0xae: {  	[dreg:$0x2] =	wrdreg s24  }
0xaf: {  	[dreg:$0x3] =	wrdreg $0x75000  }
0xb0: {  	[dreg:$0x4] =	wrdreg $0x9  }
0xb1: {  	_ =	task.clear_ibuf [dreg:s6], $0x5FFFF;
	_ =	strace $0x90000049  }
0xb2: {  	s29 =	simm.s32 $0x9;
	_ =	strace $0x8000004B  }
0xb3: {  	_ =	swait.ge [sflag:s29], $0x1  }
0xb4: {  	[sflag:s29] =	ssyncadd.s32 $0xFFFFFFFF  }
0xb5: {  	_ =	strace $0x9000004B  }
0xb6: {  	_ =	sfence  }
0xb7: {  	s30 =	sld [smem:$0x0];
	_ =	sdelay $0x2  }
0xb8: {  	s31 =	sshll.u32 s1, $0xD;
	s1 =	sshrl.u32 s1, $0x2  }
0xb9: {  	s3 =	sand.u32 $0x4000, s31;
	s1 =	sadd.s32 s1, s30  }
0xba: {  	s0 =	sor.u32 s3, s0;
	s1 =	sshll.u32 s1, $0x11  }
0xbb: {  	s0 =	sor.u32 s1, s0  }
0xbc: {  	s0 =	sadd.s32 $0x8F2B, s0  }
0xbd: {  	[sflag:s0] =	ssyncadd.remote.s32 $0x1  }
0xbe: {  	_ =	sfence.sel $0xFFFF  }
0xbf: {  	[dreg:$0x0] =	wrdreg $0xFFFFFFFF;
	(pc) =	sbr.abs _section_cstart, $3  }
0xc0: {  	[dreg:$0x1] =	wrdreg $0xFFFFFFFF  }
0xc1: {  	_ =	task.clear_ibuf [dreg:s6], $0x2FFFF;
	_ =	strace $0x9FFFFFFF  }
0xc2: {  	(tm) =	ssettm $0x7FFFFFFF  }
0xc3: {  	_ =	shalt  }
tec
execute0_lowered:
.L_overlay_start_1:
0x0: {  	(tag) =	ssettag $0x1  }
0x1: {  	s0 =	rddreg [dreg:$0x0]  }
0x2: {  	s1 =	rddreg [dreg:$0x1];
	s2 =	simm.s32 $0x0;
	s5 =	srdreg.scid  }
0x3: {  	s12 =	stileid.u32;
	s28 =	simm.s32 $0x100;
	s29 =	simm.s32 $0x1  }
0x4: {  	s30 =	simm.s32 $0x1AD80;
	s31 =	simm.s32 $0x1AE00;
	[smem:$0x7FF] =	sst s2  }
0x5: {  	s3 =	sadd.s32 $0x36400, s0;
	s4 =	sadd.s32 $0xC600, s0;
	s11 =	sadd.s32 $0x2800, s0  }
0x6: {  	s6 =	sadd.s32 $0x16400, s0;
	s13 =	sand.u32 $0x1, s5;
	s24 =	smul.u32 $0x4E000, s12  }
0x7: {  	s0 =	sadd.s32 $0x5D600, s0;
	s9 =	smul.u32 $0x13800, s12;
	p0 =	sne.s32 s12, $0x0  }
0x8: {  	_ =	strace $0x8000004A;
	[dreg:$0x3] =	wrdreg s6;
	s18 =	smul.u32 $0x138800, s13  }
0x9: {  	s5 =	ssub.s32 $0x2, s13;
	s8 =	sshll.u32 s13, $0x4;
	s13 =	smul.u32 $0x27100, s13  }
0xa: {  	s7 =	sshrl.u32 s5, $0x1;
	s25 =	sor.u32 s12, s8;
	s6 =	sshrl.u32 s24, $0x2  }
0xb: {  	s15 =	sadd.s32 $0x3400, s9;
	s16 =	sadd.s32 $0x6800, s9;
	s17 =	sadd.s32 $0x9C00, s9  }
0xc: {  	s19 =	sadd.s32 $0xD000, s9;
	s20 =	sadd.s32 $0x10400, s9;
	s21 =	ssub.s32 s5, s7  }
0xd: {  	s14 =	smul.u32 $0x2710, s25;
	s5 =	sadd.s32 s6, s1;
	s6 =	sadd.s32 s15, s1  }
0xe: {  	s7 =	sadd.s32 s16, s1;
	s8 =	sadd.s32 s17, s1;
	s22 =	sadd.s32 s9, s18  }
0xf: {  	s9 =	sadd.s32 s19, s1;
	s10 =	sadd.s32 s20, s1;
	s15 =	sadd.s32 s18, s15  }
0x10: {  	s24 =	sadd.s32 s18, s17;
	s17 =	sadd.s32 s18, s19;
	s19 =	sadd.s32 s18, s20  }
0x11: {  	s20 =	sshrl.u32 s18, $0x3;
	s22 =	sshrl.u32 s22, $0x3;
	s21 =	smax.u32 s21, $0x1  }
0x12: {  	s23 =	sshrl.u32 s14, $0x3;
	s26 =	sadd.s32 s0, s22;
	s14 =	sshrl.u32 s15, $0x3  }
0x13: {  	s22 =	sadd.s32 s18, s16;
	s15 =	sshrl.u32 s17, $0x3;
	s17 =	sadd.s32 $0x138000, s1  }
0x14: {  	[dreg:$0x4] =	wrdreg s26;
	s14 =	sadd.s32 s0, s14;
	s25 =	sshrl.u32 s22, $0x3  }
0x15: {  	s26 =	sshrl.u32 s24, $0x3;
	s24 =	sadd.s32 s0, s15;
	[dreg:$0x5] =	wrdreg s14  }
0x16: {  	s22 =	smul.u32 $0x2710, s12;
	s14 =	sadd.s32 s0, s25;
	[dreg:$0x8] =	wrdreg s24  }
0x17: {  	s16 =	sadd.s32 s0, s26;
	s26 =	sadd.s32 $0x4E0, s23;
	[dreg:$0x6] =	wrdreg s14  }
0x18: {  	s24 =	simm.s32 $0x4100;
	[dreg:$0x7] =	wrdreg s16;
	s16 =	sshrl.u32 s19, $0x3  }
0x19: {  	s13 =	sadd.s32 s22, s13;
	s18 =	sadd.s32 s4, s26;
	s19 =	sadd.s32 s11, s26  }
0x1a: {  	s26 =	simm.s32 $0x80;
	s25 =	sadd.s32 s0, s16;
	s0 =	sadd.s32 s0, s20  }
0x1b: {  	s13 =	sshrl.u32 s13, $0x3;
	[dreg:$0x9] =	wrdreg s25;
	s20 =	sadd.s32 $0x27000, s0  }
0x1c: {  	s22 =	sadd.s32 s13, s11;
	s23 =	sadd.s32 s13, s4;
	s25 =	simm.s32 $0x2  }
0x1d: {  	s0 =	simm.s32 $0x10;
	s4 =	simm.s32 $0x1AE80;
	s11 =	simm.s32 $0x0  }
.LBB2_1:
0x1e: {  	s12 =	rddreg [dreg:$0x3]  }
0x1f: {  	[tilespmem:s24], [sflag:$0x2] =	stream.linear.gather [hbm4b:s12+s2], $0x3400, $0x38;
	[tilespmem:$0x1B680] =	vst v63  }
0x20: {  	_ =	swait.ge [sflag:s25], $0x3400  }
0x21: {  	[sflag:s25] =	ssyncset.done $0x0  }
0x22: {  	[sflag:s25] =	ssyncadd.s32 $0xFFFFCC00  }
0x23: {  	[spmem:s5] =	stream.linear.scatter [tilespmem:s24], [sflag:$0x2], $0x3400, $0x38;
	[tilespmem:$0x1B680] =	vst v63  }
0x24: {  	_ =	swait.ge [sflag:s25], $0x3400  }
0x25: {  	[sflag:s25] =	ssyncset.done $0x0  }
0x26: {  	[sflag:s25] =	ssyncadd.s32 $0xFFFFCC00  }
0x27: {  	[spmem:s6] =	stream.linear.scatter [tilespmem:s24], [sflag:$0x2], $0x3400, $0x38;
	[tilespmem:$0x1B680] =	vst v63  }
0x28: {  	_ =	swait.ge [sflag:s25], $0x3400  }
0x29: {  	[sflag:s25] =	ssyncset.done $0x0  }
0x2a: {  	[sflag:s25] =	ssyncadd.s32 $0xFFFFCC00  }
0x2b: {  	[spmem:s7] =	stream.linear.scatter [tilespmem:s24], [sflag:$0x2], $0x3400, $0x38;
	[tilespmem:$0x1B680] =	vst v63  }
0x2c: {  	_ =	swait.ge [sflag:s25], $0x3400  }
0x2d: {  	[sflag:s25] =	ssyncset.done $0x0  }
0x2e: {  	[sflag:s25] =	ssyncadd.s32 $0xFFFFCC00  }
0x2f: {  	[spmem:s8] =	stream.linear.scatter [tilespmem:s24], [sflag:$0x2], $0x3400, $0x38;
	[tilespmem:$0x1B680] =	vst v63  }
0x30: {  	_ =	swait.ge [sflag:s25], $0x3400  }
0x31: {  	[sflag:s25] =	ssyncset.done $0x0  }
0x32: {  	[sflag:s25] =	ssyncadd.s32 $0xFFFFCC00  }
0x33: {  	[spmem:s9] =	stream.linear.scatter [tilespmem:s24], [sflag:$0x2], $0x3400, $0x38;
	[tilespmem:$0x1B680] =	vst v63  }
0x34: {  	_ =	swait.ge [sflag:s25], $0x3400  }
0x35: {  	[sflag:s25] =	ssyncset.done $0x0  }
0x36: {  	[sflag:s25] =	ssyncadd.s32 $0xFFFFCC00  }
0x37: {  	[spmem:s10] =	stream.linear.scatter [tilespmem:s24], [sflag:$0x2], $0x3400, $0x38;
	[tilespmem:$0x1B680] =	vst v63  }
0x38: {  	_ =	swait.ge [sflag:s25], $0x3400  }
0x39: {  	[sflag:s25] =	ssyncset.done $0x0  }
0x3a: {  	s12 =	simm.s32 @!p0 $0x4100;
	[sflag:s25] =	ssyncadd.s32 $0xFFFFCC00  }
0x3b: {  	[spmem:s17] =	stream.linear.scatter @!p0 [tilespmem:s12], [sflag:$0x2], $0x800, $0x38;
	[tilespmem:$0x1B680] =	vst v63  }
0x3c: {  	s12 =	simm.s32 @!p0 $0x2  }
0x3d: {  	_ =	swait.ge @!p0 [sflag:s12], $0x800  }
0x3e: {  	[sflag:s12] =	ssyncset.done @!p0 $0x0  }
0x3f: {  	[sflag:s12] =	ssyncadd.s32 @!p0 $0xFFFFF800  }
0x40: {  	s15 =	sadd.s32 $0x0, s23;
	[bflag:$0x0] =	sbarrier.arrive $0xFFFF  }
0x41: {  	[tilespmem:s2], [sflag:$0x2] =	stream.linear.gather [hbm4b:s15+s2], $0x80, $0x38;
	[tilespmem:$0x1B680] =	vst v63  }
0x42: {  	_ =	swait.ge [sflag:s25], $0x80  }
0x43: {  	[sflag:s25] =	ssyncset.done $0x0  }
0x44: {  	s16 =	sadd.s32 $0x0, s22;
	[sflag:s25] =	ssyncadd.s32 $0xFFFFFF80  }
0x45: {  	[tilespmem:s26], [sflag:$0x2] =	stream.linear.gather [hbm4b:s16+s2], $0x80, $0x38;
	[tilespmem:$0x1B680] =	vst v63  }
0x46: {  	_ =	swait.ge [sflag:s25], $0x80  }
0x47: {  	[sflag:s25] =	ssyncset.done $0x0  }
0x48: {  	[sflag:s25] =	ssyncadd.s32 $0xFFFFFF80  }
0x49: {  	[tilespmem:s28], [sflag:$0x1] =	stream.indirect.gather [hbm4b:s3+s26], $0x80, s2, s26, $0xb8;
	[tilespmem:$0x1B680] =	vst v63  }
0x4a: {  	_ =	swait.ge [sflag:s29], $0x4000  }
0x4b: {  	[sflag:s29] =	ssyncset.done $0x0  }
0x4c: {  	[sflag:s29] =	ssyncadd.s32 $0xFFFFC000  }
0x4d: {  	[spmem:s1] =	stream.indirect.scatter.add.f32 [tilespmem:s28], [sflag:$0x2], $0x80, s26, s26, $0xb8;
	[tilespmem:$0x1B680] =	vst v63  }
0x4e: {  	_ =	swait.ge [sflag:s25], $0x4000  }
0x4f: {  	s13 =	simm.s32 $0x20;
	s12 =	simm.s32 $0x10;
	[sflag:s25] =	ssyncset.done $0x0  }
.LBB2_2:
0x50: {  	s14 =	sadd.s32 s12, s23  }
0x51: {  	[sflag:s25] =	ssyncadd.s32 $0xFFFFC000;
	s15 =	smov.u32 s13;
	s16 =	sadd.s32 $0x10, s13  }
0x52: {  	[tilespmem:s2], [sflag:$0x2] =	stream.linear.gather [hbm4b:s14+s2], $0x80, $0x38;
	[tilespmem:$0x1B680] =	vst v63  }
0x53: {  	p1 =	sne.s32 s13, $0x4D0;
	_ =	swait.ge [sflag:s25], $0x80  }
0x54: {  	[sflag:s25] =	ssyncset.done $0x0  }
0x55: {  	s13 =	sadd.s32 s12, s22;
	s12 =	smov.u32 s15;
	[sflag:s25] =	ssyncadd.s32 $0xFFFFFF80  }
0x56: {  	[tilespmem:s26], [sflag:$0x2] =	stream.linear.gather [hbm4b:s13+s2], $0x80, $0x38;
	[tilespmem:$0x1B680] =	vst v63  }
0x57: {  	_ =	swait.ge [sflag:s25], $0x80  }
0x58: {  	[sflag:s25] =	ssyncset.done $0x0  }
0x59: {  	[sflag:s25] =	ssyncadd.s32 $0xFFFFFF80  }
0x5a: {  	[tilespmem:s28], [sflag:$0x1] =	stream.indirect.gather [hbm4b:s3+s26], $0x80, s2, s26, $0xb8;
	[tilespmem:$0x1B680] =	vst v63  }
0x5b: {  	_ =	swait.ge [sflag:s29], $0x4000  }
.Ltmp0:
0x5c: {  	[sflag:s29] =	ssyncset.done $0x0;
	(pc) =	sbr.rel @p1 .LBB2_2-.Ltmp0, $4  }
0x5d: {  	[sflag:s29] =	ssyncadd.s32 $0xFFFFC000  }
0x5e: {  	[spmem:s1] =	stream.indirect.scatter.add.f32 [tilespmem:s28], [sflag:$0x2], $0x80, s26, s26, $0xb8;
	[tilespmem:$0x1B680] =	vst v63  }
0x5f: {  	_ =	swait.ge [sflag:s25], $0x4000  }
0x60: {  	s13 =	smov.u32 s16;
	[sflag:s25] =	ssyncset.done $0x0  }
0x61: {  	s13 =	sadd.s32 s12, s23;
	[sflag:s25] =	ssyncadd.s32 $0xFFFFC000  }
0x62: {  	[tilespmem:s2], [sflag:$0x2] =	stream.linear.gather [hbm4b:s13+s2], $0x80, $0x38;
	[tilespmem:$0x1B680] =	vst v63  }
0x63: {  	_ =	swait.ge [sflag:s25], $0x80  }
0x64: {  	[sflag:s25] =	ssyncset.done $0x0  }
0x65: {  	s14 =	sadd.s32 s12, s22;
	[sflag:s25] =	ssyncadd.s32 $0xFFFFFF80  }
0x66: {  	[tilespmem:s26], [sflag:$0x2] =	stream.linear.gather [hbm4b:s14+s2], $0x80, $0x38;
	[tilespmem:$0x1B680] =	vst v63  }
0x67: {  	_ =	swait.ge [sflag:s25], $0x80  }
0x68: {  	[sflag:s25] =	ssyncset.done $0x0  }
0x69: {  	[sflag:s25] =	ssyncadd.s32 $0xFFFFFF80  }
0x6a: {  	[tilespmem:s28], [sflag:$0x1] =	stream.indirect.gather [hbm4b:s3+s26], $0x80, s2, s26, $0xb8;
	[tilespmem:$0x1B680] =	vst v63  }
0x6b: {  	_ =	swait.ge [sflag:s29], $0x4000  }
0x6c: {  	[sflag:s29] =	ssyncset.done $0x0  }
0x6d: {  	[sflag:s29] =	ssyncadd.s32 $0xFFFFC000  }
0x6e: {  	[spmem:s1] =	stream.indirect.scatter.add.f32 [tilespmem:s28], [sflag:$0x2], $0x80, s26, s26, $0xb8;
	[tilespmem:$0x1B680] =	vst v63  }
0x6f: {  	_ =	swait.ge [sflag:s25], $0x4000  }
0x70: {  	[sflag:s25] =	ssyncset.done $0x0  }
0x71: {  	[sflag:s25] =	ssyncadd.s32 $0xFFFFC000  }
0x72: {  	[tilespmem:s30], [sflag:$0x2] =	stream.linear.gather [hbm4b:s18+s2], $0x10, $0x38;
	[tilespmem:$0x1B680] =	vst v63  }
0x73: {  	_ =	swait.ge [sflag:s25], $0x10  }
0x74: {  	[sflag:s25] =	ssyncset.done $0x0  }
0x75: {  	[sflag:s25] =	ssyncadd.s32 $0xFFFFFFF0  }
0x76: {  	[tilespmem:s31], [sflag:$0x2] =	stream.linear.gather [hbm4b:s19+s2], $0x10, $0x38;
	[tilespmem:$0x1B680] =	vst v63  }
0x77: {  	_ =	swait.ge [sflag:s25], $0x10  }
0x78: {  	[sflag:s25] =	ssyncset.done $0x0  }
0x79: {  	[sflag:s25] =	ssyncadd.s32 $0xFFFFFFF0  }
0x7a: {  	[tilespmem:s4], [sflag:$0x1] =	stream.indirect.gather [hbm4b:s3+s0], $0x80, s30, s0, $0xb8;
	[tilespmem:$0x1B680] =	vst v63  }
0x7b: {  	_ =	swait.ge [sflag:s29], $0x800  }
0x7c: {  	[sflag:s29] =	ssyncset.done $0x0  }
0x7d: {  	[sflag:s29] =	ssyncadd.s32 $0xFFFFF800  }
0x7e: {  	[spmem:s1] =	stream.indirect.scatter.add.f32 [tilespmem:s4], [sflag:$0x2], $0x80, s31, s0, $0xb8;
	[tilespmem:$0x1B680] =	vst v63  }
0x7f: {  	_ =	swait.ge [sflag:s25], $0x800  }
0x80: {  	[sflag:s25] =	ssyncset.done $0x0  }
0x81: {  	[sflag:s25] =	ssyncadd.s32 $0xFFFFF800  }
0x82: {  	[bflag:$0x0] =	sbarrier.arrive $0xFFFF  }
0x83: {  	[tilespmem:s24], [sflag:$0x2] =	stream.linear.gather [spmem:s5], $0x3400, $0x38;
	[tilespmem:$0x1B680] =	vst v63  }
0x84: {  	_ =	swait.ge [sflag:s25], $0x3400  }
0x85: {  	[sflag:s25] =	ssyncset.done $0x0  }
0x86: {  	s15 =	rddreg [dreg:$0x4];
	[sflag:s25] =	ssyncadd.s32 $0xFFFFCC00  }
0x87: {  	[hbm4b:s15+s2] =	stream.linear.scatter [tilespmem:s24], [sflag:$0x2], $0x3400, $0x38;
	[tilespmem:$0x1B680] =	vst v63  }
0x88: {  	_ =	swait.ge [sflag:s25], $0x3400  }
0x89: {  	[sflag:s25] =	ssyncset.done $0x0  }
0x8a: {  	[sflag:s25] =	ssyncadd.s32 $0xFFFFCC00  }
0x8b: {  	[tilespmem:s24], [sflag:$0x2] =	stream.linear.gather [spmem:s6], $0x3400, $0x38;
	[tilespmem:$0x1B680] =	vst v63  }
0x8c: {  	_ =	swait.ge [sflag:s25], $0x3400  }
0x8d: {  	[sflag:s25] =	ssyncset.done $0x0  }
0x8e: {  	s16 =	rddreg [dreg:$0x5];
	[sflag:s25] =	ssyncadd.s32 $0xFFFFCC00  }
0x8f: {  	[hbm4b:s16+s2] =	stream.linear.scatter [tilespmem:s24], [sflag:$0x2], $0x3400, $0x38;
	[tilespmem:$0x1B680] =	vst v63  }
0x90: {  	_ =	swait.ge [sflag:s25], $0x3400  }
0x91: {  	[sflag:s25] =	ssyncset.done $0x0  }
0x92: {  	[sflag:s25] =	ssyncadd.s32 $0xFFFFCC00  }
0x93: {  	[tilespmem:s24], [sflag:$0x2] =	stream.linear.gather [spmem:s7], $0x3400, $0x38;
	[tilespmem:$0x1B680] =	vst v63  }
0x94: {  	_ =	swait.ge [sflag:s25], $0x3400  }
0x95: {  	[sflag:s25] =	ssyncset.done $0x0  }
0x96: {  	s13 =	rddreg [dreg:$0x6];
	[sflag:s25] =	ssyncadd.s32 $0xFFFFCC00  }
0x97: {  	[hbm4b:s13+s2] =	stream.linear.scatter [tilespmem:s24], [sflag:$0x2], $0x3400, $0x38;
	[tilespmem:$0x1B680] =	vst v63  }
0x98: {  	_ =	swait.ge [sflag:s25], $0x3400  }
0x99: {  	[sflag:s25] =	ssyncset.done $0x0  }
0x9a: {  	[sflag:s25] =	ssyncadd.s32 $0xFFFFCC00  }
0x9b: {  	[tilespmem:s24], [sflag:$0x2] =	stream.linear.gather [spmem:s8], $0x3400, $0x38;
	[tilespmem:$0x1B680] =	vst v63  }
0x9c: {  	_ =	swait.ge [sflag:s25], $0x3400  }
0x9d: {  	[sflag:s25] =	ssyncset.done $0x0  }
0x9e: {  	s14 =	rddreg [dreg:$0x7];
	[sflag:s25] =	ssyncadd.s32 $0xFFFFCC00  }
0x9f: {  	[hbm4b:s14+s2] =	stream.linear.scatter [tilespmem:s24], [sflag:$0x2], $0x3400, $0x38;
	[tilespmem:$0x1B680] =	vst v63  }
0xa0: {  	_ =	swait.ge [sflag:s25], $0x3400  }
0xa1: {  	[sflag:s25] =	ssyncset.done $0x0  }
0xa2: {  	[sflag:s25] =	ssyncadd.s32 $0xFFFFCC00  }
0xa3: {  	[tilespmem:s24], [sflag:$0x2] =	stream.linear.gather [spmem:s9], $0x3400, $0x38;
	[tilespmem:$0x1B680] =	vst v63  }
0xa4: {  	_ =	swait.ge [sflag:s25], $0x3400  }
0xa5: {  	[sflag:s25] =	ssyncset.done $0x0  }
0xa6: {  	s15 =	rddreg [dreg:$0x8];
	[sflag:s25] =	ssyncadd.s32 $0xFFFFCC00  }
0xa7: {  	[hbm4b:s15+s2] =	stream.linear.scatter [tilespmem:s24], [sflag:$0x2], $0x3400, $0x38;
	[tilespmem:$0x1B680] =	vst v63  }
0xa8: {  	_ =	swait.ge [sflag:s25], $0x3400  }
0xa9: {  	[sflag:s25] =	ssyncset.done $0x0  }
0xaa: {  	[sflag:s25] =	ssyncadd.s32 $0xFFFFCC00  }
0xab: {  	[tilespmem:s24], [sflag:$0x2] =	stream.linear.gather [spmem:s10], $0x3400, $0x38;
	[tilespmem:$0x1B680] =	vst v63  }
0xac: {  	_ =	swait.ge [sflag:s25], $0x3400  }
0xad: {  	[sflag:s25] =	ssyncset.done $0x0  }
0xae: {  	s16 =	rddreg [dreg:$0x9];
	[sflag:s25] =	ssyncadd.s32 $0xFFFFCC00  }
0xaf: {  	[hbm4b:s16+s2] =	stream.linear.scatter [tilespmem:s24], [sflag:$0x2], $0x3400, $0x38;
	[tilespmem:$0x1B680] =	vst v63  }
0xb0: {  	_ =	swait.ge [sflag:s25], $0x3400  }
0xb1: {  	[sflag:s25] =	ssyncset.done $0x0  }
0xb2: {  	s12 =	simm.s32 @!p0 $0x4100;
	s13 =	simm.s32 @!p0 $0x2;
	[sflag:s25] =	ssyncadd.s32 $0xFFFFCC00  }
0xb3: {  	[tilespmem:s12], [sflag:$0x2] =	stream.linear.gather @!p0 [spmem:s17], $0x800, $0x38;
	[tilespmem:$0x1B680] =	vst v63  }
0xb4: {  	s11 =	sadd.s32 $0x1, s11;
	_ =	swait.ge @!p0 [sflag:s13], $0x800  }
0xb5: {  	p1 =	sne.s32 s11, s21;
	[sflag:s13] =	ssyncset.done @!p0 $0x0  }
.Ltmp1:
0xb6: {  	s14 =	simm.s32 @!p0 $0x0;
	[sflag:s13] =	ssyncadd.s32 @!p0 $0xFFFFF800;
	(pc) =	sbr.rel @p1 .LBB2_1-.Ltmp1, $4  }
0xb7: {  	[hbm4b:s20+s14] =	stream.linear.scatter @!p0 [tilespmem:s12], [sflag:$0x2], $0x800, $0x38;
	[tilespmem:$0x1B680] =	vst v63  }
0xb8: {  	_ =	swait.ge @!p0 [sflag:s13], $0x800  }
0xb9: {  	[sflag:s13] =	ssyncset.done @!p0 $0x0  }
0xba: {  	[sflag:s13] =	ssyncadd.s32 @!p0 $0xFFFFF800  }
0xbb: {  	_ =	sfence.sel $0x180000  }
0xbc: {  	[bflag:$0x0] =	sbarrier.arrive $0xFFFF  }
0xbd: {  	_ =	strace $0x9000004A  }
0xbe: {  	[bflag:$0x2] =	sbarrier.arrive $0xFFFF  }
0xbf: {  	s0 =	rddreg [dreg:$0x2]  }
0xc0: {  	s0 =	sadd.s32 @!p0 $0x100000, s0  }
0xc1: {  	[sflag:s0] =	ssyncadd.tile.s32 @!p0 $0x1;
	_ =	shalt  }
.Lfunc_end2:
_tile_overlayer_lowered:
.L_overlay_start_2:
0xc2: {  	(tag) =	ssettag $0x2  }
0xc3: {  	s0 =	rddreg [dreg:$0x0];
	s2 =	stileid.u32  }
0xc4: {  	s1 =	rddreg [dreg:$0x1];
	p0 =	sne.s32 s2, $0x0  }
0xc5: {  	s3 =	rddreg [dreg:$0x2];
	[bflag:$0x3] =	sbarrier.arrive $0xFFFF;
	s2 =	simm.s32 @!p0 $0x1C02  }
0xc6: {  	[timem:s3], [sflag:s2] =	dma.local @!p0 [hbm:s0], s1  }
0xc7: {  	s0 =	simm.s32 @!p0 $0x2  }
0xc8: {  	_ =	swait.ge @!p0 [sflag:s0], s1  }
0xc9: {  	s1 =	ssub.s32 @!p0 $0x0, s1;
	[sflag:s0] =	ssyncset.done @!p0 $0x0  }
0xca: {  	[sflag:s0] =	ssyncadd.s32 @!p0 s1  }
0xcb: {  	[bflag:$0x3] =	sbarrier.arrive $0xFFFF  }
0xcc: {  	_ =	shalt  }

// kernel: kernel.5.cloned.1.call-start
scs
__scs_entry_jumppad:
0x0: {  	(pc) =	sbr.rel $0x88, $3  }
0x1: {  	(tag) =	ssettag $0x0;
	lr =	simm.s32 $0x1  }
0x2: {  	[smem:$0x3F96] =	sst lr;
	_ =	strace $0xD0000000  }
0x3: {  	_ = 	snop  }
0x4: {  	_ = 	snop  }
0x5: {  	_ = 	snop  }
0x6: {  	_ = 	snop  }
0x7: {  	_ = 	snop  }
__scs_overlays_trampoline_lowered:
0x8: {  	[smem:$0x3FA5] =	sst s0  }
0x9: {  	[smem:$0x3FA6] =	sst s1  }
0xa: {  	[smem:$0x3FA7] =	sst s2  }
0xb: {  	[smem:$0x3FA8] =	sst s3  }
0xc: {  	[smem:$0x3FA9] =	sst s4  }
0xd: {  	[smem:$0x3FAA] =	sst s5  }
0xe: {  	[smem:$0x3FAB] =	sst s6  }
0xf: {  	[smem:$0x3FAC] =	sst s7  }
0x10: {  	[smem:$0x3FAD] =	sst s8  }
0x11: {  	[smem:$0x3FAE] =	sst s9;
	s0 =	simm.s32 @!p0 $0x0  }
0x12: {  	s1 =	sld [smem:$0x3F94];
	s0 =	simm.s32 @p0 $0x1  }
0x13: {  	[smem:$0x3FAF] =	sst s0;
	s0 =	simm.s32 @!p1 $0x0  }
0x14: {  	s2 =	sld [smem:$0x3F93];
	s0 =	simm.s32 @p1 $0x1  }
0x15: {  	[smem:$0x3FB0] =	sst s0;
	s0 =	simm.s32 @!p2 $0x0  }
0x16: {  	s3 =	sld [smem:$0x3FDB];
	s0 =	simm.s32 @p2 $0x1  }
0x17: {  	s4 =	simm.s32 $0x1BF5;
	[smem:$0x3FB2] =	sst s0  }
0x18: {  	s0 =	sld [smem:$0x3F95];
	_ =	swait.ge [sflag:s4], $0x0  }
0x19: {  	s7 =	sld [smem:$0x3F96]  }
0x1a: {  	s8 =	sadd.s32 $0xFFFFE003, lr  }
0x1b: {  	s9 =	sadd.s32 $0xFFFFFEF7, lr;
	s5 =	simm.s32 $0xFFFFFFFF;
	p2 =	slt.u32 s8, $0xFFFFF086  }
0x1c: {  	p1 =	slt.u32 s9, $0xF7A;
	s5 =	simm.s32 @!p2 $0x0  }
0x1d: {  	s5 =	simm.s32 @p1 $0x1;
	p0 =	seq.s32 s7, s2  }
0x1e: {  	s7 =	smul.u32 @!p0 $0xF7A, s2;
	p2 =	seq.s32 @!p0 s5, $0x0  }
0x1f: {  	s9 =	smul.u32 $0xF7A, s1;
	s8 =	simm.s32 @!p0 $0x1BF5;
	p2 =	por !p2, p0  }
0x20: {  	[sflag:s8] =	ssyncset.s32 @!p0 $0xFFFFF086;
	s6 =	sadd.s32 @!p0 s3, s7;
	s7 =	simm.s32 @!p0 $0x108  }
0x21: {  	s3 =	sadd.s32 s3, s9;
	s6 =	sadd.s32 @!p0 $0x88, s6;
	s7 =	simm.s32 @p2 $0x1082  }
0x22: {  	[simem:s7], [sflag:s8] =	dma.local @!p0 [hbm:s6], $0xF7A  }
0x23: {  	s9 =	sor.u32 $0xD0000000, s2;
	s6 =	simm.s32 $0x108;
	_ =	swait.ge @!p0 [sflag:s8], $0x0  }
0x24: {  	s3 =	sadd.s32 $0x88, s3;
	s6 =	simm.s32 @!p1 $0x1082;
	[sflag:s4] =	ssyncset.s32 $0xFFFFF086  }
0x25: {  	[simem:s6], [sflag:s4] =	dma.local [hbm:s3], $0xF7A  }
0x26: {  	[smem:$0x3F96] =	sst s1;
	(tag) =	ssettag s2;
	_ =	strace s9  }
0x27: {  	s1 =	sld [smem:$0x3FA6]  }
0x28: {  	s2 =	sld [smem:$0x3FA7]  }
0x29: {  	s4 =	sld [smem:$0x3FA9]  }
0x2a: {  	p0 =	seq.s32 s5, $0x0;
	s5 =	sld [smem:$0x3FAA]  }
0x2b: {  	s6 =	sld [smem:$0x3FAB]  }
0x2c: {  	s7 =	sld [smem:$0x3FAC]  }
0x2d: {  	s3 =	simm.s32 $0x108;
	s8 =	sld [smem:$0x3FAD]  }
0x2e: {  	s3 =	simm.s32 @!p0 $0x1082;
	s9 =	sld [smem:$0x3FAE]  }
0x2f: {  	lr =	sadd.s32 s0, s3;
	s0 =	sld [smem:$0x3FA5]  }
0x30: {  	s3 =	sld [smem:$0x3FA8]  }
0x31: {  	[smem:$0x3FB1] =	sst s10  }
0x32: {  	s10 =	sld [smem:$0x3FAF];
	_ =	sdelay $0x3  }
0x33: {  	p0 =	seq.s32 s10, $0x1;
	s10 =	sld [smem:$0x3FB1];
	_ =	sdelay $0x3  }
0x34: {  	[smem:$0x3FB1] =	sst s10  }
0x35: {  	s10 =	sld [smem:$0x3FB0];
	_ =	sdelay $0x3  }
0x36: {  	p1 =	seq.s32 s10, $0x1;
	s10 =	sld [smem:$0x3FB1];
	_ =	sdelay $0x3  }
0x37: {  	[smem:$0x3FB1] =	sst s10  }
0x38: {  	s10 =	sld [smem:$0x3FB2]  }
0x39: {  	_ = 	snop;
	(pc) =	sbr.ind lr, $3  }
0x3a: {  	_ = 	snop  }
0x3b: {  	_ = 	snop  }
0x3c: {  	p2 =	seq.s32 s10, $0x1;
	s10 =	sld [smem:$0x3FB1]  }
0x3d: {  	_ =	shalt  }
0x3e: {  	_ =	shalt  }
0x3f: {  	_ =	shalt  }
0x40: {  	_ =	shalt  }
0x41: {  	_ =	shalt  }
0x42: {  	_ =	shalt  }
0x43: {  	_ =	shalt  }
0x44: {  	_ =	shalt  }
0x45: {  	_ =	shalt  }
0x46: {  	_ =	shalt  }
0x47: {  	_ =	shalt  }
0x48: {  	_ =	shalt  }
0x49: {  	_ =	shalt  }
0x4a: {  	_ =	shalt  }
0x4b: {  	_ =	shalt  }
0x4c: {  	_ =	shalt  }
0x4d: {  	_ =	shalt  }
0x4e: {  	_ =	shalt  }
0x4f: {  	_ =	shalt  }
0x50: {  	_ =	shalt  }
0x51: {  	_ =	shalt  }
0x52: {  	_ =	shalt  }
0x53: {  	_ =	shalt  }
0x54: {  	_ =	shalt  }
0x55: {  	_ =	shalt  }
0x56: {  	_ =	shalt  }
0x57: {  	_ =	shalt  }
0x58: {  	_ =	shalt  }
0x59: {  	_ =	shalt  }
0x5a: {  	_ =	shalt  }
0x5b: {  	_ =	shalt  }
0x5c: {  	_ =	shalt  }
0x5d: {  	_ =	shalt  }
0x5e: {  	_ =	shalt  }
0x5f: {  	_ =	shalt  }
0x60: {  	_ =	shalt  }
0x61: {  	_ =	shalt  }
0x62: {  	_ =	shalt  }
0x63: {  	_ =	shalt  }
0x64: {  	_ =	shalt  }
0x65: {  	_ =	shalt  }
0x66: {  	_ =	shalt  }
0x67: {  	_ =	shalt  }
0x68: {  	_ =	shalt  }
0x69: {  	_ =	shalt  }
0x6a: {  	_ =	shalt  }
0x6b: {  	_ =	shalt  }
0x6c: {  	_ =	shalt  }
0x6d: {  	_ =	shalt  }
0x6e: {  	_ =	shalt  }
0x6f: {  	_ =	shalt  }
0x70: {  	_ =	shalt  }
0x71: {  	_ =	shalt  }
0x72: {  	_ =	shalt  }
0x73: {  	_ =	shalt  }
0x74: {  	_ =	shalt  }
0x75: {  	_ =	shalt  }
0x76: {  	_ =	shalt  }
0x77: {  	_ =	shalt  }
0x78: {  	_ =	shalt  }
0x79: {  	_ =	shalt  }
0x7a: {  	_ =	shalt  }
0x7b: {  	_ =	shalt  }
0x7c: {  	_ =	shalt  }
0x7d: {  	_ =	shalt  }
0x7e: {  	_ =	shalt  }
0x7f: {  	_ =	shalt  }
0x80: {  	_ =	shalt  }
0x81: {  	_ =	shalt  }
0x82: {  	_ =	shalt  }
0x83: {  	_ =	shalt  }
0x84: {  	_ =	shalt  }
0x85: {  	_ =	shalt  }
0x86: {  	_ =	shalt  }
0x87: {  	_ =	shalt  }
.Lfunc_end0:
.L_simem_size_0:
called_computation.1_lowered:
.L_overlay_start_0:
0x88: {  	s2 =	sld [smem:$0x3FD9]  }
0x89: {  	s3 =	sld [smem:$0x3FFE];
	_ =	sdelay $0x1  }
0x8a: {  	s1 =	srdreg.scid  }
0x8b: {  	s0 =	sand.u32 $0x1, s1  }
0x8c: {  	s16 =	sshll.u32 s0, $0xA;
	s2 =	sadd.s32 s3, s2  }
0x8d: {  	s2 =	sadd.s32 s2, s16  }
0x8e: {  	[smem:$0x3FBD] =	sst s2  }
0x8f: {  	_ = 	snop  }
0x90: {  	(tm) =	ssettm $0x1  }
0x91: {  	s17 =	sld [smem:$0x3FFB];
	_ =	sdelay $0x3  }
0x92: {  	_ =	strace s17  }
0x93: {  	s2 =	sld [smem:$0x3FFC];
	_ =	sdelay $0x3  }
0x94: {  	_ =	strace s2  }
0x95: {  	s2 =	sld [smem:$0x3FFD];
	_ =	sdelay $0x3  }
0x96: {  	_ =	strace s2  }
0x97: {  	_ =	strace $0x8FFFFFFF  }
0x98: {  	s18 =	sld [smem:$0x3FDB];
	_ =	sdelay $0x1  }
0x99: {  	s19 =	simm.s32 $_scs_section_size  }
0x9a: {  	s4 =	simm.s32 $_size__tile_overlayer_lowered;
	s5 =	simm.s32 $_tile_overlayer_lowered  }
0x9b: {  	s22 =	simm.s32 $0x1BFF;
	s21 =	sshll.u32 s5, $0x1;
	s2 =	sadd.s32 s19, s18  }
0x9c: {  	s6 =	simm.s32 $0x0;
	s20 =	sshll.u32 s4, $0x1;
	s4 =	sadd.s32 s21, s2  }
0x9d: {  	[timem:s6], [sflag:s22] =	dma.local [hbm:s4], s20  }
0x9e: {  	_ =	swait.ge [sflag:s22], s20  }
0x9f: {  	s3 =	ssub.s32 $0x0, s20;
	[sflag:s22] =	ssyncset.done $0x0  }
0xa0: {  	[sflag:s22] =	ssyncadd.s32 s3;
	_ =	sdelay $0x1  }
0xa1: {  	s23 =	simm.s32 $0x1B8B  }
0xa2: {  	_ =	swait.ge [sflag:s23], $0x1  }
0xa3: {  	[sflag:s23] =	ssyncset.done $0x0  }
0xa4: {  	s25 =	simm.s32 $0x1B8E;
	s24 =	sld [smem:$0x3FFE];
	[sflag:s23] =	ssyncadd.s32 $0xFFFFFFFF  }
0xa5: {  	s26 =	simm.s32 $execute0_lowered;
	[smem:$0x3FD2] =	sst s25  }
0xa6: {  	s4 =	sshll.u32 s26, $0x1;
	_ =	strace $0x80000046;
	[dreg:$0x1] =	wrdreg $0xFFFFFFFF  }
0xa7: {  	s28 =	simm.s32 $_size_execute0_lowered;
	s2 =	sadd.s32 s2, s4;
	[dreg:$0x0] =	wrdreg $0x0  }
0xa8: {  	s4 =	sshll.u32 s28, $0x1;
	[dreg:$0x2] =	wrdreg s2  }
0xa9: {  	[dreg:$0x3] =	wrdreg s4  }
0xaa: {  	[dreg:$0x4] =	wrdreg $0xC0  }
0xab: {  	_ =	task [dreg:s6], $0x5FFFF  }
0xac: {  	[dreg:$0x1] =	wrdreg $0xFFFFFFFF  }
0xad: {  	[dreg:$0x0] =	wrdreg $0x60  }
0xae: {  	[dreg:$0x2] =	wrdreg s24  }
0xaf: {  	[dreg:$0x3] =	wrdreg $0x12B000  }
0xb0: {  	[dreg:$0x4] =	wrdreg $0x9  }
0xb1: {  	_ =	task.clear_ibuf [dreg:s6], $0x5FFFF;
	_ =	strace $0x90000046  }
0xb2: {  	s29 =	simm.s32 $0x9;
	_ =	strace $0x80000048  }
0xb3: {  	_ =	swait.ge [sflag:s29], $0x1  }
0xb4: {  	[sflag:s29] =	ssyncadd.s32 $0xFFFFFFFF  }
0xb5: {  	_ =	strace $0x90000048  }
0xb6: {  	_ =	sfence  }
0xb7: {  	s30 =	sld [smem:$0x0];
	_ =	sdelay $0x2  }
0xb8: {  	s31 =	sshll.u32 s1, $0xD;
	s1 =	sshrl.u32 s1, $0x2  }
0xb9: {  	s3 =	sand.u32 $0x4000, s31;
	s1 =	sadd.s32 s1, s30  }
0xba: {  	s0 =	sor.u32 s3, s0;
	s1 =	sshll.u32 s1, $0x11  }
0xbb: {  	s0 =	sor.u32 s1, s0  }
0xbc: {  	s0 =	sadd.s32 $0x8F2B, s0  }
0xbd: {  	[sflag:s0] =	ssyncadd.remote.s32 $0x1  }
0xbe: {  	_ =	sfence.sel $0xFFFF  }
0xbf: {  	[dreg:$0x0] =	wrdreg $0xFFFFFFFF;
	(pc) =	sbr.abs _section_cstart, $3  }
0xc0: {  	[dreg:$0x1] =	wrdreg $0xFFFFFFFF  }
0xc1: {  	_ =	task.clear_ibuf [dreg:s6], $0x2FFFF;
	_ =	strace $0x9FFFFFFF  }
0xc2: {  	(tm) =	ssettm $0x7FFFFFFF  }
0xc3: {  	_ =	shalt  }
tec
execute0_lowered:
.L_overlay_start_1:
0x0: {  	(tag) =	ssettag $0x1  }
0x1: {  	s5 =	rddreg [dreg:$0x0]  }
0x2: {  	s1 =	rddreg [dreg:$0x1]  }
0x3: {  	s0 =	rddreg [dreg:$0x2];
	s2 =	simm.s32 $0x0;
	s11 =	stileid.u32  }
0x4: {  	s6 =	srdreg.scid;
	s14 =	simm.s32 $0x80;
	s15 =	simm.s32 $0x4E80  }
0x5: {  	s17 =	simm.s32 $0x134C8;
	s18 =	simm.s32 $0x0;
	s3 =	smul.u32 $0x9C4, s11  }
0x6: {  	[smem:$0x7FF] =	sst s2;
	s4 =	sadd.s32 $0xC600, s5;
	s8 =	smul.u32 $0x27000, s11  }
0x7: {  	s6 =	sand.u32 $0x1, s6;
	s9 =	sadd.s32 $0xE200, s5;
	s13 =	smul.u32 $0x9C00, s11  }
0x8: {  	p0 =	sne.s32 s11, $0x0;
	s11 =	simm.s32 $0x4F00;
	s10 =	smul.u32 $0x9C400, s6  }
0x9: {  	_ =	strace $0x80000047;
	s30 =	ssub.s32 $0x2, s6;
	s16 =	smul.u32 $0x1388, s6  }
0xa: {  	s6 =	sadd.s32 $0x9C000, s1;
	s7 =	sadd.s32 s3, s5;
	s12 =	sshrl.u32 s30, $0x1  }
0xb: {  	s3 =	sadd.s32 $0xDA00, s5;
	s8 =	sshrl.u32 s8, $0x2;
	s12 =	ssub.s32 s30, s12  }
0xc: {  	s5 =	sadd.s32 s8, s1;
	s31 =	sadd.s32 s13, s10;
	s10 =	sshrl.u32 s10, $0x3  }
0xd: {  	s7 =	sadd.s32 $0x2800, s7;
	s13 =	simm.s32 $0x8F00;
	s8 =	sshrl.u32 s31, $0x3  }
0xe: {  	v0 =	vmov s16;
	s16 =	simm.s32 $0x20;
	s10 =	sadd.s32 s9, s10;
	s8 =	sadd.s32 s9, s8  }
0xf: {  	s9 =	sadd.s32 $0x13800, s10;
	s10 =	smax.u32 s12, $0x1;
	s12 =	simm.s32 $0x1  }
.LBB2_1:
0x10: {  	[tilespmem:s11], [sflag:$0x1] =	stream.linear.gather [hbm4b:s3+s2], $0x4000, $0x38;
	[tilespmem:$0x13548] =	vst v63  }
0x11: {  	_ =	swait.ge [sflag:s12], $0x4000  }
0x12: {  	[sflag:s12] =	ssyncset.done $0x0  }
0x13: {  	[sflag:s12] =	ssyncadd.s32 $0xFFFFC000  }
0x14: {  	[tilespmem:s13], [sflag:$0x1] =	stream.linear.gather [hbm4b:s4+s2], $0x9C00, $0x38;
	[tilespmem:$0x13548] =	vst v63  }
0x15: {  	_ =	swait.ge [sflag:s12], $0x9C00  }
0x16: {  	[sflag:s12] =	ssyncset.done $0x0  }
0x17: {  	[sflag:s12] =	ssyncadd.s32 $0xFFFF6400  }
0x18: {  	[spmem:s5] =	stream.linear.scatter [tilespmem:s13], [sflag:$0x1], $0x9C00, $0x38;
	[tilespmem:$0x13548] =	vst v63  }
0x19: {  	_ =	swait.ge [sflag:s12], $0x9C00  }
0x1a: {  	[sflag:s12] =	ssyncset.done $0x0  }
0x1b: {  	s19 =	simm.s32 @!p0 $0x8F00;
	[sflag:s12] =	ssyncadd.s32 $0xFFFF6400  }
0x1c: {  	[spmem:s6] =	stream.linear.scatter @!p0 [tilespmem:s19], [sflag:$0x1], $0x400, $0x38;
	[tilespmem:$0x13548] =	vst v63  }
0x1d: {  	s19 =	simm.s32 @!p0 $0x1  }
0x1e: {  	_ =	swait.ge @!p0 [sflag:s19], $0x400  }
0x1f: {  	[sflag:s19] =	ssyncset.done @!p0 $0x0  }
0x20: {  	[sflag:s19] =	ssyncadd.s32 @!p0 $0xFFFFFC00  }
0x21: {  	[tilespmem:s2], [sflag:$0x1] =	stream.linear.gather [hbm4b:s7+s2], $0x4E20, $0x38;
	[tilespmem:$0x13548] =	vst v63  }
0x22: {  	_ =	swait.ge [sflag:s12], $0x4E20  }
0x23: {  	[sflag:s12] =	ssyncset.done $0x0  }
0x24: {  	[sflag:s12] =	ssyncadd.s32 $0xFFFFB1E0  }
0x25: {  	s31 =	simm.s32 $0x0;
	[bflag:$0x0] =	sbarrier.arrive $0xFFFF  }
0x26: {  	v1 =	vld [tilespmem:s31+$0x0];
	_ =	sdelay $0x4  }
0x27: {  	v1 =	vsub.s32 v1, v0  }
0x28: {  	v1 =	vmin.u32 v1, $0x1388  }
0x29: {  	[tilespmem:$0x4E80] =	vst v1  }
0x2a: {  	v1 =	vld [tilespmem:s31+$0x10];
	_ =	sdelay $0x4  }
0x2b: {  	v1 =	vsub.s32 v1, v0  }
0x2c: {  	v1 =	vmin.u32 v1, $0x1388  }
0x2d: {  	[tilespmem:$0x4E90] =	vst v1  }
0x2e: {  	v1 =	vld [tilespmem:s31+$0x20];
	_ =	sdelay $0x4  }
0x2f: {  	v1 =	vsub.s32 v1, v0  }
0x30: {  	v1 =	vmin.u32 v1, $0x1388  }
0x31: {  	[tilespmem:$0x4EA0] =	vst v1  }
0x32: {  	v1 =	vld [tilespmem:s31+$0x30];
	_ =	sdelay $0x4  }
0x33: {  	v1 =	vsub.s32 v1, v0  }
0x34: {  	v1 =	vmin.u32 v1, $0x1388  }
0x35: {  	[tilespmem:$0x4EB0] =	vst v1  }
0x36: {  	v1 =	vld [tilespmem:s31+$0x40];
	_ =	sdelay $0x4  }
0x37: {  	v1 =	vsub.s32 v1, v0  }
0x38: {  	v1 =	vmin.u32 v1, $0x1388  }
0x39: {  	[tilespmem:$0x4EC0] =	vst v1  }
0x3a: {  	v1 =	vld [tilespmem:s31+$0x50];
	_ =	sdelay $0x4  }
0x3b: {  	v1 =	vsub.s32 v1, v0  }
0x3c: {  	v1 =	vmin.u32 v1, $0x1388  }
0x3d: {  	[tilespmem:$0x4ED0] =	vst v1  }
0x3e: {  	v1 =	vld [tilespmem:s31+$0x60];
	_ =	sdelay $0x4  }
0x3f: {  	v1 =	vsub.s32 v1, v0  }
0x40: {  	v1 =	vmin.u32 v1, $0x1388  }
0x41: {  	[tilespmem:$0x4EE0] =	vst v1  }
0x42: {  	v1 =	vld [tilespmem:s31+$0x70];
	_ =	sdelay $0x4  }
0x43: {  	v1 =	vsub.s32 v1, v0  }
0x44: {  	v1 =	vmin.u32 v1, $0x1388  }
0x45: {  	[tilespmem:$0x4EF0] =	vst v1  }
0x46: {  	[spmem:s1] =	stream.indirect.scatter.add.f32 [tilespmem:s11], [sflag:$0x1], $0x8, s15, s14, $0xb8;
	[tilespmem:$0x13548] =	vst v63  }
0x47: {  	_ =	swait.ge [sflag:s12], $0x400  }
0x48: {  	s22 =	simm.s32 $0x400;
	s19 =	simm.s32 $0x200;
	[sflag:s12] =	ssyncset.done $0x0  }
.LBB2_2:
0x49: {  	s21 =	sshra.s32 s19, $0x2  }
0x4a: {  	[sflag:s12] =	ssyncadd.s32 $0xFFFFFC00;
	s19 =	smov.u32 s22;
	s20 =	sadd.s32 $0x200, s22  }
0x4b: {  	p1 =	sne.s32 s22, $0x13600;
	v1 =	vld [tilespmem:s21+$0x0];
	_ =	sdelay $0x4  }
0x4c: {  	v1 =	vsub.s32 v1, v0  }
0x4d: {  	v1 =	vmin.u32 v1, $0x1388  }
0x4e: {  	[tilespmem:$0x4E80] =	vst v1  }
0x4f: {  	v1 =	vld [tilespmem:s21+$0x10];
	_ =	sdelay $0x4  }
0x50: {  	v1 =	vsub.s32 v1, v0  }
0x51: {  	v1 =	vmin.u32 v1, $0x1388  }
0x52: {  	[tilespmem:$0x4E90] =	vst v1  }
0x53: {  	v1 =	vld [tilespmem:s21+$0x20];
	_ =	sdelay $0x4  }
0x54: {  	v1 =	vsub.s32 v1, v0  }
0x55: {  	v1 =	vmin.u32 v1, $0x1388  }
0x56: {  	[tilespmem:$0x4EA0] =	vst v1  }
0x57: {  	v1 =	vld [tilespmem:s21+$0x30];
	_ =	sdelay $0x4  }
0x58: {  	v1 =	vsub.s32 v1, v0  }
0x59: {  	v1 =	vmin.u32 v1, $0x1388  }
0x5a: {  	[tilespmem:$0x4EB0] =	vst v1  }
0x5b: {  	v1 =	vld [tilespmem:s21+$0x40];
	_ =	sdelay $0x4  }
0x5c: {  	v1 =	vsub.s32 v1, v0  }
0x5d: {  	v1 =	vmin.u32 v1, $0x1388  }
0x5e: {  	[tilespmem:$0x4EC0] =	vst v1  }
0x5f: {  	v1 =	vld [tilespmem:s21+$0x50];
	_ =	sdelay $0x4  }
0x60: {  	v1 =	vsub.s32 v1, v0  }
0x61: {  	v1 =	vmin.u32 v1, $0x1388  }
0x62: {  	[tilespmem:$0x4ED0] =	vst v1  }
0x63: {  	v1 =	vld [tilespmem:s21+$0x60];
	_ =	sdelay $0x4  }
0x64: {  	v1 =	vsub.s32 v1, v0  }
0x65: {  	v1 =	vmin.u32 v1, $0x1388  }
0x66: {  	[tilespmem:$0x4EE0] =	vst v1  }
0x67: {  	v1 =	vld [tilespmem:s21+$0x70];
	_ =	sdelay $0x4  }
0x68: {  	v1 =	vsub.s32 v1, v0  }
.Ltmp0:
0x69: {  	v1 =	vmin.u32 v1, $0x1388;
	(pc) =	sbr.rel @p1 .LBB2_2-.Ltmp0, $4  }
0x6a: {  	[tilespmem:$0x4EF0] =	vst v1  }
0x6b: {  	[spmem:s1] =	stream.indirect.scatter.add.f32 [tilespmem:s11], [sflag:$0x1], $0x8, s15, s14, $0xb8;
	[tilespmem:$0x13548] =	vst v63  }
0x6c: {  	_ =	swait.ge [sflag:s12], $0x400  }
0x6d: {  	s22 =	smov.u32 s20;
	[sflag:s12] =	ssyncset.done $0x0  }
0x6e: {  	s19 =	sshra.s32 s19, $0x2;
	[sflag:s12] =	ssyncadd.s32 $0xFFFFFC00  }
0x6f: {  	v1 =	vld [tilespmem:s19+$0x0];
	_ =	sdelay $0x4  }
0x70: {  	v1 =	vsub.s32 v1, v0  }
0x71: {  	v1 =	vmin.u32 v1, $0x1388  }
0x72: {  	[tilespmem:$0x4E80] =	vst v1  }
0x73: {  	v1 =	vld [tilespmem:s19+$0x10];
	_ =	sdelay $0x4  }
0x74: {  	v1 =	vsub.s32 v1, v0  }
0x75: {  	v1 =	vmin.u32 v1, $0x1388  }
0x76: {  	[tilespmem:$0x4E90] =	vst v1  }
0x77: {  	v1 =	vld [tilespmem:s19+$0x20];
	_ =	sdelay $0x4  }
0x78: {  	v1 =	vsub.s32 v1, v0  }
0x79: {  	v1 =	vmin.u32 v1, $0x1388  }
0x7a: {  	[tilespmem:$0x4EA0] =	vst v1  }
0x7b: {  	v1 =	vld [tilespmem:s19+$0x30];
	_ =	sdelay $0x4  }
0x7c: {  	v1 =	vsub.s32 v1, v0  }
0x7d: {  	v1 =	vmin.u32 v1, $0x1388  }
0x7e: {  	[tilespmem:$0x4EB0] =	vst v1  }
0x7f: {  	v1 =	vld [tilespmem:s19+$0x40];
	_ =	sdelay $0x4  }
0x80: {  	v1 =	vsub.s32 v1, v0  }
0x81: {  	v1 =	vmin.u32 v1, $0x1388  }
0x82: {  	[tilespmem:$0x4EC0] =	vst v1  }
0x83: {  	v1 =	vld [tilespmem:s19+$0x50];
	_ =	sdelay $0x4  }
0x84: {  	v1 =	vsub.s32 v1, v0  }
0x85: {  	v1 =	vmin.u32 v1, $0x1388  }
0x86: {  	[tilespmem:$0x4ED0] =	vst v1  }
0x87: {  	v1 =	vld [tilespmem:s19+$0x60];
	_ =	sdelay $0x4  }
0x88: {  	v1 =	vsub.s32 v1, v0  }
0x89: {  	v1 =	vmin.u32 v1, $0x1388  }
0x8a: {  	[tilespmem:$0x4EE0] =	vst v1  }
0x8b: {  	v1 =	vld [tilespmem:s19+$0x70];
	_ =	sdelay $0x4  }
0x8c: {  	v1 =	vsub.s32 v1, v0  }
0x8d: {  	v1 =	vmin.u32 v1, $0x1388  }
0x8e: {  	[tilespmem:$0x4EF0] =	vst v1  }
0x8f: {  	[spmem:s1] =	stream.indirect.scatter.add.f32 [tilespmem:s11], [sflag:$0x1], $0x8, s15, s14, $0xb8;
	[tilespmem:$0x13548] =	vst v63  }
0x90: {  	_ =	swait.ge [sflag:s12], $0x400  }
0x91: {  	[sflag:s12] =	ssyncset.done $0x0  }
0x92: {  	[sflag:s12] =	ssyncadd.s32 $0xFFFFFC00  }
0x93: {  	v1 =	vld [tilespmem:$0x4E00]  }
0x94: {  	v2 =	vld [tilespmem:$0x4E10];
	_ =	sdelay $0x3  }
0x95: {  	v1 =	vsub.s32 v1, v0  }
0x96: {  	v2 =	vsub.s32 v2, v0;
	v1 =	vmin.u32 v1, $0x1388  }
0x97: {  	[tilespmem:$0x134C8] =	vst v1;
	v1 =	vmin.u32 v2, $0x1388  }
0x98: {  	[tilespmem:$0x134D8] =	vst v1  }
0x99: {  	[spmem:s1] =	stream.indirect.scatter.add.f32 [tilespmem:s11], [sflag:$0x1], $0x8, s17, s16, $0xb8;
	[tilespmem:$0x13548] =	vst v63  }
0x9a: {  	_ =	swait.ge [sflag:s12], $0x100  }
0x9b: {  	[sflag:s12] =	ssyncset.done $0x0  }
0x9c: {  	[sflag:s12] =	ssyncadd.s32 $0xFFFFFF00  }
0x9d: {  	[bflag:$0x0] =	sbarrier.arrive $0xFFFF  }
0x9e: {  	[tilespmem:s13], [sflag:$0x1] =	stream.linear.gather [spmem:s5], $0x9C00, $0x38;
	[tilespmem:$0x13548] =	vst v63  }
0x9f: {  	_ =	swait.ge [sflag:s12], $0x9C00  }
0xa0: {  	[sflag:s12] =	ssyncset.done $0x0  }
0xa1: {  	[sflag:s12] =	ssyncadd.s32 $0xFFFF6400  }
0xa2: {  	[hbm4b:s8+s2] =	stream.linear.scatter [tilespmem:s13], [sflag:$0x1], $0x9C00, $0x38;
	[tilespmem:$0x13548] =	vst v63  }
0xa3: {  	_ =	swait.ge [sflag:s12], $0x9C00  }
0xa4: {  	[sflag:s12] =	ssyncset.done $0x0  }
0xa5: {  	s20 =	simm.s32 @!p0 $0x1;
	s19 =	simm.s32 @!p0 $0x8F00;
	[sflag:s12] =	ssyncadd.s32 $0xFFFF6400  }
0xa6: {  	[tilespmem:s19], [sflag:$0x1] =	stream.linear.gather @!p0 [spmem:s6], $0x400, $0x38;
	[tilespmem:$0x13548] =	vst v63  }
0xa7: {  	s18 =	sadd.s32 $0x1, s18;
	_ =	swait.ge @!p0 [sflag:s20], $0x400  }
0xa8: {  	p1 =	sne.s32 s18, s10;
	[sflag:s20] =	ssyncset.done @!p0 $0x0  }
.Ltmp1:
0xa9: {  	s21 =	simm.s32 @!p0 $0x0;
	[sflag:s20] =	ssyncadd.s32 @!p0 $0xFFFFFC00;
	(pc) =	sbr.rel @p1 .LBB2_1-.Ltmp1, $4  }
0xaa: {  	[hbm4b:s9+s21] =	stream.linear.scatter @!p0 [tilespmem:s19], [sflag:$0x1], $0x400, $0x38;
	[tilespmem:$0x13548] =	vst v63  }
0xab: {  	_ =	swait.ge @!p0 [sflag:s20], $0x400  }
0xac: {  	[sflag:s20] =	ssyncset.done @!p0 $0x0  }
0xad: {  	[sflag:s20] =	ssyncadd.s32 @!p0 $0xFFFFFC00  }
0xae: {  	_ =	sfence.sel $0x180000  }
0xaf: {  	[bflag:$0x0] =	sbarrier.arrive $0xFFFF  }
0xb0: {  	_ =	strace $0x90000047  }
0xb1: {  	s0 =	sadd.s32 @!p0 $0x100000, s0;
	[bflag:$0x2] =	sbarrier.arrive $0xFFFF  }
0xb2: {  	[sflag:s0] =	ssyncadd.tile.s32 @!p0 $0x1;
	_ =	shalt  }
.Lfunc_end2:
_tile_overlayer_lowered:
.L_overlay_start_2:
0xb3: {  	(tag) =	ssettag $0x2  }
0xb4: {  	s0 =	rddreg [dreg:$0x0];
	s2 =	stileid.u32  }
0xb5: {  	s1 =	rddreg [dreg:$0x1];
	p0 =	sne.s32 s2, $0x0  }
0xb6: {  	s3 =	rddreg [dreg:$0x2];
	[bflag:$0x3] =	sbarrier.arrive $0xFFFF;
	s2 =	simm.s32 @!p0 $0x1C01  }
0xb7: {  	[timem:s3], [sflag:s2] =	dma.local @!p0 [hbm:s0], s1  }
0xb8: {  	s0 =	simm.s32 @!p0 $0x1  }
0xb9: {  	_ =	swait.ge @!p0 [sflag:s0], s1  }
0xba: {  	s1 =	ssub.s32 @!p0 $0x0, s1;
	[sflag:s0] =	ssyncset.done @!p0 $0x0  }
0xbb: {  	[sflag:s0] =	ssyncadd.s32 @!p0 s1  }
0xbc: {  	[bflag:$0x3] =	sbarrier.arrive $0xFFFF  }
0xbd: {  	_ =	shalt  }

</sc_bundles>
